<compile_context>
chip_gen: v7x
topology: tpu7x:2x2x1
jax: 0.10.2.dev20260603
libtpu: 0.0.44.dev20260713+nightly
codegen_flags: <defaults>
</compile_context>

<pallas_src>
import functools

import jax
import jax.numpy as jnp
from jax import lax
from jax.experimental import pallas as pl
from jax.experimental.pallas import tpu as pltpu
from jax.experimental.pallas import tpu_sc as plsc

N = 16384
K = 8192
D = 256
TN = 1024
GRID = N // TN

_CHUNK = 2736
_B0 = 21 * 128
_B1 = 42 * 128
_INF = float("inf")


def _round_f32_to_bf16_rte(v):
    u = lax.bitcast_convert_type(v, jnp.uint32)
    r = (u + jnp.uint32(0x7FFF) + ((u >> jnp.uint32(16)) & jnp.uint32(1))) \
        & jnp.uint32(0xFFFF0000)
    return lax.bitcast_convert_type(r, jnp.float32)


def _lane_iota(tn):
    return lax.broadcasted_iota(jnp.int32, (tn, 128), 1)


def _dist_argmax_kernel(x_ref, et_ref, a2_ref, c2_ref,
                        ind_ref, s_ref):
    x = x_ref[...]
    e = et_ref[...]
    b = lax.dot_general(x, e, (((1,), (1,)), ((), ())),
                        preferred_element_type=jnp.float32)
    s_ref[...] = (a2_ref[...] - b) + c2_ref[...]

    li = _lane_iota(TN)
    lif = li.astype(jnp.float32)
    fINF = jnp.float32(_INF)
    fK = jnp.float32(K)

    def scan_chunk(cols):
        valacc = jnp.full((TN, 128), _INF, jnp.float32)
        colacc = jnp.zeros((TN, 128), jnp.float32)
        for j, mask in cols:
            tile = s_ref[:, j * 128:(j + 1) * 128]
            if mask is not None:
                tile = jnp.where(mask, tile, fINF)
            upd = tile < valacc
            valacc = jnp.where(upd, tile, valacc)
            colacc = jnp.where(upd, jnp.float32(j), colacc)
        m = jnp.min(valacc, axis=1)
        kl = colacc * 128.0 + lif
        cand = jnp.where(valacc == m[:, None], kl, fK)
        return m, jnp.min(cand, axis=1)

    m0, i0 = scan_chunk([(j, None) for j in range(21)] + [(21, li < 48)])
    m1, i1 = scan_chunk([(21, li >= 48)]
                        + [(j, None) for j in range(22, 42)]
                        + [(42, li < 96)])
    m2, i2 = scan_chunk([(42, li >= 96)]
                        + [(j, None) for j in range(43, 64)])

    acc = _round_f32_to_bf16_rte(m0)
    chsel = jnp.zeros(m0.shape, jnp.int32)
    win1 = m1 < acc
    acc = jnp.where(win1, _round_f32_to_bf16_rte(m1), acc)
    chsel = jnp.where(win1, 1, chsel)
    win2 = m2 < acc
    chsel = jnp.where(win2, 2, chsel)

    ind = jnp.where(chsel == 1, i1, i0)
    ind = jnp.where(chsel == 2, i2, ind)
    ind_ref[0, 0, :] = ind.astype(jnp.int32)


def _argmax_indices(x_flat, embed_t, a2, c2):
    rows = x_flat.shape[0]
    grid = rows // TN
    return pl.pallas_call(
        _dist_argmax_kernel,
        grid=(grid,),
        in_specs=[
            pl.BlockSpec((TN, D), lambda i: (i, 0)),
            pl.BlockSpec((K, D), lambda i: (0, 0)),
            pl.BlockSpec((TN, 1), lambda i: (i, 0)),
            pl.BlockSpec((1, K), lambda i: (0, 0)),
        ],
        out_specs=pl.BlockSpec((1, 1, TN), lambda i: (i, 0, 0)),
        out_shape=jax.ShapeDtypeStruct((grid, 1, TN), jnp.int32),
        scratch_shapes=[pltpu.VMEM((TN, K), jnp.float32)],
        compiler_params=pltpu.CompilerParams(
            dimension_semantics=("arbitrary",)),
    )(x_flat, embed_t, a2, c2)


_SC_INFO = plsc.get_sparse_core_info()
_NC = _SC_INFO.num_cores
_NS = _SC_INFO.num_subcores
_NW = _NC * _NS
_CS = 128

_gather_mesh = plsc.VectorSubcoreMesh(core_axis_name="c", subcore_axis_name="s")


def _make_gather_sc(rows):
    bpw = rows // _NW
    nch = bpw // _CS

    @functools.partial(
        pl.kernel,
        mesh=_gather_mesh,
        out_type=jax.ShapeDtypeStruct((rows, D), jnp.float32),
        scratch_types=[
            pltpu.VMEM((nch, _CS), jnp.int32),
            pltpu.VMEM((_CS, D), jnp.float32),
            pltpu.VMEM((_CS, D), jnp.float32),
            pltpu.SemaphoreType.DMA,
            pltpu.SemaphoreType.DMA,
        ],
    )
    def gather(table_hbm, idx_hbm, out_hbm, idx_v, rows0, rows1, sem0, sem1):
        wid = lax.axis_index("s") * _NC + lax.axis_index("c")
        base = wid * bpw
        pltpu.sync_copy(idx_hbm.at[wid], idx_v)
        bufs = (rows0, rows1)
        sems = (sem0, sem1)
        pltpu.async_copy(table_hbm.at[idx_v.at[0]], bufs[0], sems[0])
        for ch in range(nch):
            pltpu.make_async_copy(table_hbm.at[idx_v.at[ch]], bufs[ch % 2],
                                  sems[ch % 2]).wait()
            if ch + 1 < nch:
                pltpu.async_copy(table_hbm.at[idx_v.at[ch + 1]],
                                 bufs[(ch + 1) % 2], sems[(ch + 1) % 2])
            pltpu.sync_copy(bufs[ch % 2],
                            out_hbm.at[pl.ds(base + ch * _CS, _CS)])

    return gather, nch


_gather_full, _NCH_FULL = _make_gather_sc(N)


def kernel(x, embed):
    shape = x.shape
    x_flat = x.reshape(-1, D)
    a = jnp.sum(x_flat ** 2, axis=1, keepdims=True)
    c = jnp.sum(embed ** 2, axis=1)[None, :]
    ind = _argmax_indices(x_flat.astype(jnp.bfloat16),
                          embed.astype(jnp.bfloat16),
                          a * 0.5, c * 0.5)
    ind_flat = ind.reshape(N)
    quantized = _gather_full(embed, ind_flat.reshape(_NW, _NCH_FULL, _CS))
    return quantized.reshape(shape), ind_flat.reshape(shape[:-1])

# --- scband reference (transcript-rebuilt; emitter-appended) ---
"""Pipeline reference for scband-euclidean-codebook-18047452578777 (READ-ONLY COPY).

The authoritative reference and input builder live on the scoring server;
editing this copy changes nothing except your own understanding.
"""

import jax, jax.numpy as jnp
import numpy as np

CODEBOOK_SIZE = 8192
DIM = 256

def setup_inputs(seed: int = 0) -> dict:
    key = jax.random.key(seed)
    kx, ke = jax.random.split(key)
    x = jax.random.normal(kx, (16, 1024, DIM), dtype=jnp.float32)
    # kaiming_uniform_ init for embed buffer: bound = sqrt(6 / fan_in), fan_in = DIM
    bound = np.sqrt(6.0 / DIM)
    embed = jax.random.uniform(ke, (CODEBOOK_SIZE, DIM), dtype=jnp.float32, minval=-bound, maxval=bound)
    return {"x": x, "embed": embed}

def reference(x, embed):
    # eval-mode forward of EuclideanCodebook (inited=True, no EMA buffer updates)
    shape = x.shape
    x_flat = x.reshape(-1, shape[-1])  # preprocess: '... d -> (...) d'
    embed_t = embed.T  # [dim, K]
    dist = -(jnp.sum(x_flat ** 2, axis=1, keepdims=True)
             - 2.0 * (x_flat @ embed_t)
             + jnp.sum(embed_t ** 2, axis=0, keepdims=True))  # [N, K]
    embed_ind_flat = jnp.argmax(dist, axis=-1)  # quantize
    embed_ind = embed_ind_flat.reshape(shape[:-1])  # postprocess_emb
    quantized = jnp.take(embed, embed_ind, axis=0)  # dequantize: F.embedding
    return quantized, embed_ind

if __name__ == "__main__":
    import jax
    _d = setup_inputs()
    print(jax.jit(kernel)(*tuple(_d.values())))

</pallas_src>

<mosaic_0001>
#map = affine_map<(d0, d1) -> (0, 0)>
#map1 = affine_map<(d0, d1) -> (0, 0, 0)>
module attributes {stable_mosaic.version = 14 : i64} {
  func.func @gather(%arg0: i32, %arg1: i32, %arg2: memref<8192x256xf32, #tpu.memory_space<hbm>>, %arg3: memref<32x4x128xi32, #tpu.memory_space<hbm>>, %arg4: memref<16384x256xf32, #tpu.memory_space<hbm>>, %arg5: memref<4x128xi32, #tpu.memory_space<vmem>>, %arg6: memref<128x256xf32, #tpu.memory_space<vmem>>, %arg7: memref<128x256xf32, #tpu.memory_space<vmem>>, %arg8: memref<!tpu.dma_semaphore, #tpu.memory_space<semaphore_mem>>, %arg9: memref<!tpu.dma_semaphore, #tpu.memory_space<semaphore_mem>>) attributes {dimension_semantics = [#tpu.dimension_semantics<core_parallel>, #tpu.dimension_semantics<subcore_parallel>], iteration_bounds = array<i64: 2, 16>, scalar_prefetch = 0 : i64, scratch_operands = 5 : i64, tpu.core_type = #tpu.core_type<sc_vector_subcore>, window_params = [{transform_indices = #map}, {transform_indices = #map1}, {transform_indices = #map}]} {
    %mul3A = arith.constant 2 : i32
    %mul3A_0 = arith.muli %arg1, %mul3A : i32
    %add3A = arith.addi %mul3A_0, %arg0 : i32
    %mul3A_1 = arith.constant 512 : i32
    %mul3A_2 = arith.muli %add3A, %mul3A_1 : i32
    "tpu.region"() ({
      %run_scoped3A = tpu.sem_alloc : memref<!tpu.dma_semaphore, #tpu.memory_space<semaphore_mem>>
      %dma_start3A_65 = arith.constant 0 : i32
      %dma_start3A_66 = arith.constant 0 : i32
      %dma_start3A_67 = tpu.memref_slice %arg3[%add3A, %dma_start3A_65, %dma_start3A_66] : memref<32x4x128xi32, #tpu.memory_space<hbm>> -> memref<1x4x128xi32, #tpu.memory_space<hbm>>
      %dma_start3A_68 = tpu.memref_squeeze %dma_start3A_67 : memref<1x4x128xi32, #tpu.memory_space<hbm>> -> memref<4x128xi32, #tpu.memory_space<hbm>>
      %dma_start3A_69 = arith.constant 0 : i32
      %dma_start3A_70 = arith.constant 0 : i32
      %dma_start3A_71 = tpu.memref_slice %arg3[%add3A, %dma_start3A_69, %dma_start3A_70] : memref<32x4x128xi32, #tpu.memory_space<hbm>> -> memref<1x4x128xi32, #tpu.memory_space<hbm>>
      %dma_start3A_72 = tpu.memref_squeeze %dma_start3A_71 : memref<1x4x128xi32, #tpu.memory_space<hbm>> -> memref<4x128xi32, #tpu.memory_space<hbm>>
      tpu.enqueue_dma source(%dma_start3A_72 : memref<4x128xi32, #tpu.memory_space<hbm>>) target(%arg5 : memref<4x128xi32, #tpu.memory_space<vmem>>) target_semaphore(%run_scoped3A : memref<!tpu.dma_semaphore, #tpu.memory_space<semaphore_mem>>)
      %dma_wait3A_73 = arith.constant 0 : i32
      %dma_wait3A_74 = arith.constant 0 : i32
      %dma_wait3A_75 = tpu.memref_slice %arg3[%add3A, %dma_wait3A_73, %dma_wait3A_74] : memref<32x4x128xi32, #tpu.memory_space<hbm>> -> memref<1x4x128xi32, #tpu.memory_space<hbm>>
      %dma_wait3A_76 = tpu.memref_squeeze %dma_wait3A_75 : memref<1x4x128xi32, #tpu.memory_space<hbm>> -> memref<4x128xi32, #tpu.memory_space<hbm>>
      %dma_wait3A_77 = arith.constant 0 : i32
      %dma_wait3A_78 = arith.constant 0 : i32
      %dma_wait3A_79 = tpu.memref_slice %arg3[%add3A, %dma_wait3A_77, %dma_wait3A_78] : memref<32x4x128xi32, #tpu.memory_space<hbm>> -> memref<1x4x128xi32, #tpu.memory_space<hbm>>
      %dma_wait3A_80 = tpu.memref_squeeze %dma_wait3A_79 : memref<1x4x128xi32, #tpu.memory_space<hbm>> -> memref<4x128xi32, #tpu.memory_space<hbm>>
      tpu.wait_dma2 semaphore(%run_scoped3A : memref<!tpu.dma_semaphore, #tpu.memory_space<semaphore_mem>>) src(%dma_wait3A_80 : memref<4x128xi32, #tpu.memory_space<hbm>>) dst(%arg5 : memref<4x128xi32, #tpu.memory_space<vmem>>)
      tpu.yield
    }) : () -> ()
    %dma_start3A = arith.constant 0 : i32
    %dma_start3A_3 = arith.constant 0 : i32
    %dma_start3A_4 = tpu.memref_slice %arg5[%dma_start3A, %dma_start3A_3] : memref<4x128xi32, #tpu.memory_space<vmem>> -> memref<1x128xi32, #tpu.memory_space<vmem>>
    %dma_start3A_5 = tpu.memref_squeeze %dma_start3A_4 : memref<1x128xi32, #tpu.memory_space<vmem>> -> memref<128xi32, #tpu.memory_space<vmem>>
    %dma_start3A_6 = arith.constant 0 : i32
    %dma_start3A_7 = arith.constant 0 : i32
    %dma_start3A_8 = tpu.memref_slice %arg2[%dma_start3A_6, %dma_start3A_7] : memref<8192x256xf32, #tpu.memory_space<hbm>> -> memref<8192x256xf32, #tpu.memory_space<hbm>>
    tpu.enqueue_indirect_dma source(%dma_start3A_8 : memref<8192x256xf32, #tpu.memory_space<hbm>>) target(%arg6 : memref<128x256xf32, #tpu.memory_space<vmem>>) offsets(%dma_start3A_5 : memref<128xi32, #tpu.memory_space<vmem>>) semaphore(%arg8 : memref<!tpu.dma_semaphore, #tpu.memory_space<semaphore_mem>>)
    %dma_wait3A = arith.constant 0 : i32
    %dma_wait3A_9 = arith.constant 0 : i32
    %dma_wait3A_10 = tpu.memref_slice %arg5[%dma_wait3A, %dma_wait3A_9] : memref<4x128xi32, #tpu.memory_space<vmem>> -> memref<1x128xi32, #tpu.memory_space<vmem>>
    %dma_wait3A_11 = tpu.memref_squeeze %dma_wait3A_10 : memref<1x128xi32, #tpu.memory_space<vmem>> -> memref<128xi32, #tpu.memory_space<vmem>>
    %dma_wait3A_12 = arith.constant 0 : i32
    %dma_wait3A_13 = arith.constant 0 : i32
    %dma_wait3A_14 = tpu.memref_slice %arg2[%dma_wait3A_12, %dma_wait3A_13] : memref<8192x256xf32, #tpu.memory_space<hbm>> -> memref<8192x256xf32, #tpu.memory_space<hbm>>
    tpu.wait_indirect_dma semaphore(%arg8 : memref<!tpu.dma_semaphore, #tpu.memory_space<semaphore_mem>>) src(%dma_wait3A_14 : memref<8192x256xf32, #tpu.memory_space<hbm>>) dst(%arg6 : memref<128x256xf32, #tpu.memory_space<vmem>>)
    %dma_start3A_15 = arith.constant 1 : i32
    %dma_start3A_16 = arith.constant 0 : i32
    %dma_start3A_17 = tpu.memref_slice %arg5[%dma_start3A_15, %dma_start3A_16] : memref<4x128xi32, #tpu.memory_space<vmem>> -> memref<1x128xi32, #tpu.memory_space<vmem>>
    %dma_start3A_18 = tpu.memref_squeeze %dma_start3A_17 : memref<1x128xi32, #tpu.memory_space<vmem>> -> memref<128xi32, #tpu.memory_space<vmem>>
    %dma_start3A_19 = arith.constant 0 : i32
    %dma_start3A_20 = arith.constant 0 : i32
    %dma_start3A_21 = tpu.memref_slice %arg2[%dma_start3A_19, %dma_start3A_20] : memref<8192x256xf32, #tpu.memory_space<hbm>> -> memref<8192x256xf32, #tpu.memory_space<hbm>>
    tpu.enqueue_indirect_dma source(%dma_start3A_21 : memref<8192x256xf32, #tpu.memory_space<hbm>>) target(%arg7 : memref<128x256xf32, #tpu.memory_space<vmem>>) offsets(%dma_start3A_18 : memref<128xi32, #tpu.memory_space<vmem>>) semaphore(%arg9 : memref<!tpu.dma_semaphore, #tpu.memory_space<semaphore_mem>>)
    %add3A_22 = arith.constant 0 : i32
    %add3A_23 = arith.addi %mul3A_2, %add3A_22 : i32
    "tpu.region"() ({
      %run_scoped3A = tpu.sem_alloc : memref<!tpu.dma_semaphore, #tpu.memory_space<semaphore_mem>>
      %dma_start3A_65 = arith.constant 0 : i32
      %dma_start3A_66 = tpu.memref_slice %arg4[%add3A_23, %dma_start3A_65] : memref<16384x256xf32, #tpu.memory_space<hbm>> -> memref<128x256xf32, #tpu.memory_space<hbm>>
      %dma_start3A_67 = arith.constant 0 : i32
      %dma_start3A_68 = tpu.memref_slice %arg4[%add3A_23, %dma_start3A_67] : memref<16384x256xf32, #tpu.memory_space<hbm>> -> memref<128x256xf32, #tpu.memory_space<hbm>>
      tpu.enqueue_dma source(%arg6 : memref<128x256xf32, #tpu.memory_space<vmem>>) target(%dma_start3A_68 : memref<128x256xf32, #tpu.memory_space<hbm>>) target_semaphore(%run_scoped3A : memref<!tpu.dma_semaphore, #tpu.memory_space<semaphore_mem>>)
      %dma_wait3A_69 = arith.constant 0 : i32
      %dma_wait3A_70 = tpu.memref_slice %arg4[%add3A_23, %dma_wait3A_69] : memref<16384x256xf32, #tpu.memory_space<hbm>> -> memref<128x256xf32, #tpu.memory_space<hbm>>
      %dma_wait3A_71 = arith.constant 0 : i32
      %dma_wait3A_72 = tpu.memref_slice %arg4[%add3A_23, %dma_wait3A_71] : memref<16384x256xf32, #tpu.memory_space<hbm>> -> memref<128x256xf32, #tpu.memory_space<hbm>>
      tpu.wait_dma2 semaphore(%run_scoped3A : memref<!tpu.dma_semaphore, #tpu.memory_space<semaphore_mem>>) src(%arg6 : memref<128x256xf32, #tpu.memory_space<vmem>>) dst(%dma_wait3A_72 : memref<128x256xf32, #tpu.memory_space<hbm>>)
      tpu.yield
    }) : () -> ()
    %dma_wait3A_24 = arith.constant 1 : i32
    %dma_wait3A_25 = arith.constant 0 : i32
    %dma_wait3A_26 = tpu.memref_slice %arg5[%dma_wait3A_24, %dma_wait3A_25] : memref<4x128xi32, #tpu.memory_space<vmem>> -> memref<1x128xi32, #tpu.memory_space<vmem>>
    %dma_wait3A_27 = tpu.memref_squeeze %dma_wait3A_26 : memref<1x128xi32, #tpu.memory_space<vmem>> -> memref<128xi32, #tpu.memory_space<vmem>>
    %dma_wait3A_28 = arith.constant 0 : i32
    %dma_wait3A_29 = arith.constant 0 : i32
    %dma_wait3A_30 = tpu.memref_slice %arg2[%dma_wait3A_28, %dma_wait3A_29] : memref<8192x256xf32, #tpu.memory_space<hbm>> -> memref<8192x256xf32, #tpu.memory_space<hbm>>
    tpu.wait_indirect_dma semaphore(%arg9 : memref<!tpu.dma_semaphore, #tpu.memory_space<semaphore_mem>>) src(%dma_wait3A_30 : memref<8192x256xf32, #tpu.memory_space<hbm>>) dst(%arg7 : memref<128x256xf32, #tpu.memory_space<vmem>>)
    %dma_start3A_31 = arith.constant 2 : i32
    %dma_start3A_32 = arith.constant 0 : i32
    %dma_start3A_33 = tpu.memref_slice %arg5[%dma_start3A_31, %dma_start3A_32] : memref<4x128xi32, #tpu.memory_space<vmem>> -> memref<1x128xi32, #tpu.memory_space<vmem>>
    %dma_start3A_34 = tpu.memref_squeeze %dma_start3A_33 : memref<1x128xi32, #tpu.memory_space<vmem>> -> memref<128xi32, #tpu.memory_space<vmem>>
    %dma_start3A_35 = arith.constant 0 : i32
    %dma_start3A_36 = arith.constant 0 : i32
    %dma_start3A_37 = tpu.memref_slice %arg2[%dma_start3A_35, %dma_start3A_36] : memref<8192x256xf32, #tpu.memory_space<hbm>> -> memref<8192x256xf32, #tpu.memory_space<hbm>>
    tpu.enqueue_indirect_dma source(%dma_start3A_37 : memref<8192x256xf32, #tpu.memory_space<hbm>>) target(%arg6 : memref<128x256xf32, #tpu.memory_space<vmem>>) offsets(%dma_start3A_34 : memref<128xi32, #tpu.memory_space<vmem>>) semaphore(%arg8 : memref<!tpu.dma_semaphore, #tpu.memory_space<semaphore_mem>>)
    %add3A_38 = arith.constant 128 : i32
    %add3A_39 = arith.addi %mul3A_2, %add3A_38 : i32
    "tpu.region"() ({
      %run_scoped3A = tpu.sem_alloc : memref<!tpu.dma_semaphore, #tpu.memory_space<semaphore_mem>>
      %dma_start3A_65 = arith.constant 0 : i32
      %dma_start3A_66 = tpu.memref_slice %arg4[%add3A_39, %dma_start3A_65] : memref<16384x256xf32, #tpu.memory_space<hbm>> -> memref<128x256xf32, #tpu.memory_space<hbm>>
      %dma_start3A_67 = arith.constant 0 : i32
      %dma_start3A_68 = tpu.memref_slice %arg4[%add3A_39, %dma_start3A_67] : memref<16384x256xf32, #tpu.memory_space<hbm>> -> memref<128x256xf32, #tpu.memory_space<hbm>>
      tpu.enqueue_dma source(%arg7 : memref<128x256xf32, #tpu.memory_space<vmem>>) target(%dma_start3A_68 : memref<128x256xf32, #tpu.memory_space<hbm>>) target_semaphore(%run_scoped3A : memref<!tpu.dma_semaphore, #tpu.memory_space<semaphore_mem>>)
      %dma_wait3A_69 = arith.constant 0 : i32
      %dma_wait3A_70 = tpu.memref_slice %arg4[%add3A_39, %dma_wait3A_69] : memref<16384x256xf32, #tpu.memory_space<hbm>> -> memref<128x256xf32, #tpu.memory_space<hbm>>
      %dma_wait3A_71 = arith.constant 0 : i32
      %dma_wait3A_72 = tpu.memref_slice %arg4[%add3A_39, %dma_wait3A_71] : memref<16384x256xf32, #tpu.memory_space<hbm>> -> memref<128x256xf32, #tpu.memory_space<hbm>>
      tpu.wait_dma2 semaphore(%run_scoped3A : memref<!tpu.dma_semaphore, #tpu.memory_space<semaphore_mem>>) src(%arg7 : memref<128x256xf32, #tpu.memory_space<vmem>>) dst(%dma_wait3A_72 : memref<128x256xf32, #tpu.memory_space<hbm>>)
      tpu.yield
    }) : () -> ()
    %dma_wait3A_40 = arith.constant 2 : i32
    %dma_wait3A_41 = arith.constant 0 : i32
    %dma_wait3A_42 = tpu.memref_slice %arg5[%dma_wait3A_40, %dma_wait3A_41] : memref<4x128xi32, #tpu.memory_space<vmem>> -> memref<1x128xi32, #tpu.memory_space<vmem>>
    %dma_wait3A_43 = tpu.memref_squeeze %dma_wait3A_42 : memref<1x128xi32, #tpu.memory_space<vmem>> -> memref<128xi32, #tpu.memory_space<vmem>>
    %dma_wait3A_44 = arith.constant 0 : i32
    %dma_wait3A_45 = arith.constant 0 : i32
    %dma_wait3A_46 = tpu.memref_slice %arg2[%dma_wait3A_44, %dma_wait3A_45] : memref<8192x256xf32, #tpu.memory_space<hbm>> -> memref<8192x256xf32, #tpu.memory_space<hbm>>
    tpu.wait_indirect_dma semaphore(%arg8 : memref<!tpu.dma_semaphore, #tpu.memory_space<semaphore_mem>>) src(%dma_wait3A_46 : memref<8192x256xf32, #tpu.memory_space<hbm>>) dst(%arg6 : memref<128x256xf32, #tpu.memory_space<vmem>>)
    %dma_start3A_47 = arith.constant 3 : i32
    %dma_start3A_48 = arith.constant 0 : i32
    %dma_start3A_49 = tpu.memref_slice %arg5[%dma_start3A_47, %dma_start3A_48] : memref<4x128xi32, #tpu.memory_space<vmem>> -> memref<1x128xi32, #tpu.memory_space<vmem>>
    %dma_start3A_50 = tpu.memref_squeeze %dma_start3A_49 : memref<1x128xi32, #tpu.memory_space<vmem>> -> memref<128xi32, #tpu.memory_space<vmem>>
    %dma_start3A_51 = arith.constant 0 : i32
    %dma_start3A_52 = arith.constant 0 : i32
    %dma_start3A_53 = tpu.memref_slice %arg2[%dma_start3A_51, %dma_start3A_52] : memref<8192x256xf32, #tpu.memory_space<hbm>> -> memref<8192x256xf32, #tpu.memory_space<hbm>>
    tpu.enqueue_indirect_dma source(%dma_start3A_53 : memref<8192x256xf32, #tpu.memory_space<hbm>>) target(%arg7 : memref<128x256xf32, #tpu.memory_space<vmem>>) offsets(%dma_start3A_50 : memref<128xi32, #tpu.memory_space<vmem>>) semaphore(%arg9 : memref<!tpu.dma_semaphore, #tpu.memory_space<semaphore_mem>>)
    %add3A_54 = arith.constant 256 : i32
    %add3A_55 = arith.addi %mul3A_2, %add3A_54 : i32
    "tpu.region"() ({
      %run_scoped3A = tpu.sem_alloc : memref<!tpu.dma_semaphore, #tpu.memory_space<semaphore_mem>>
      %dma_start3A_65 = arith.constant 0 : i32
      %dma_start3A_66 = tpu.memref_slice %arg4[%add3A_55, %dma_start3A_65] : memref<16384x256xf32, #tpu.memory_space<hbm>> -> memref<128x256xf32, #tpu.memory_space<hbm>>
      %dma_start3A_67 = arith.constant 0 : i32
      %dma_start3A_68 = tpu.memref_slice %arg4[%add3A_55, %dma_start3A_67] : memref<16384x256xf32, #tpu.memory_space<hbm>> -> memref<128x256xf32, #tpu.memory_space<hbm>>
      tpu.enqueue_dma source(%arg6 : memref<128x256xf32, #tpu.memory_space<vmem>>) target(%dma_start3A_68 : memref<128x256xf32, #tpu.memory_space<hbm>>) target_semaphore(%run_scoped3A : memref<!tpu.dma_semaphore, #tpu.memory_space<semaphore_mem>>)
      %dma_wait3A_69 = arith.constant 0 : i32
      %dma_wait3A_70 = tpu.memref_slice %arg4[%add3A_55, %dma_wait3A_69] : memref<16384x256xf32, #tpu.memory_space<hbm>> -> memref<128x256xf32, #tpu.memory_space<hbm>>
      %dma_wait3A_71 = arith.constant 0 : i32
      %dma_wait3A_72 = tpu.memref_slice %arg4[%add3A_55, %dma_wait3A_71] : memref<16384x256xf32, #tpu.memory_space<hbm>> -> memref<128x256xf32, #tpu.memory_space<hbm>>
      tpu.wait_dma2 semaphore(%run_scoped3A : memref<!tpu.dma_semaphore, #tpu.memory_space<semaphore_mem>>) src(%arg6 : memref<128x256xf32, #tpu.memory_space<vmem>>) dst(%dma_wait3A_72 : memref<128x256xf32, #tpu.memory_space<hbm>>)
      tpu.yield
    }) : () -> ()
    %dma_wait3A_56 = arith.constant 3 : i32
    %dma_wait3A_57 = arith.constant 0 : i32
    %dma_wait3A_58 = tpu.memref_slice %arg5[%dma_wait3A_56, %dma_wait3A_57] : memref<4x128xi32, #tpu.memory_space<vmem>> -> memref<1x128xi32, #tpu.memory_space<vmem>>
    %dma_wait3A_59 = tpu.memref_squeeze %dma_wait3A_58 : memref<1x128xi32, #tpu.memory_space<vmem>> -> memref<128xi32, #tpu.memory_space<vmem>>
    %dma_wait3A_60 = arith.constant 0 : i32
    %dma_wait3A_61 = arith.constant 0 : i32
    %dma_wait3A_62 = tpu.memref_slice %arg2[%dma_wait3A_60, %dma_wait3A_61] : memref<8192x256xf32, #tpu.memory_space<hbm>> -> memref<8192x256xf32, #tpu.memory_space<hbm>>
    tpu.wait_indirect_dma semaphore(%arg9 : memref<!tpu.dma_semaphore, #tpu.memory_space<semaphore_mem>>) src(%dma_wait3A_62 : memref<8192x256xf32, #tpu.memory_space<hbm>>) dst(%arg7 : memref<128x256xf32, #tpu.memory_space<vmem>>)
    %add3A_63 = arith.constant 384 : i32
    %add3A_64 = arith.addi %mul3A_2, %add3A_63 : i32
    "tpu.region"() ({
      %run_scoped3A = tpu.sem_alloc : memref<!tpu.dma_semaphore, #tpu.memory_space<semaphore_mem>>
      %dma_start3A_65 = arith.constant 0 : i32
      %dma_start3A_66 = tpu.memref_slice %arg4[%add3A_64, %dma_start3A_65] : memref<16384x256xf32, #tpu.memory_space<hbm>> -> memref<128x256xf32, #tpu.memory_space<hbm>>
      %dma_start3A_67 = arith.constant 0 : i32
      %dma_start3A_68 = tpu.memref_slice %arg4[%add3A_64, %dma_start3A_67] : memref<16384x256xf32, #tpu.memory_space<hbm>> -> memref<128x256xf32, #tpu.memory_space<hbm>>
      tpu.enqueue_dma source(%arg7 : memref<128x256xf32, #tpu.memory_space<vmem>>) target(%dma_start3A_68 : memref<128x256xf32, #tpu.memory_space<hbm>>) target_semaphore(%run_scoped3A : memref<!tpu.dma_semaphore, #tpu.memory_space<semaphore_mem>>)
      %dma_wait3A_69 = arith.constant 0 : i32
      %dma_wait3A_70 = tpu.memref_slice %arg4[%add3A_64, %dma_wait3A_69] : memref<16384x256xf32, #tpu.memory_space<hbm>> -> memref<128x256xf32, #tpu.memory_space<hbm>>
      %dma_wait3A_71 = arith.constant 0 : i32
      %dma_wait3A_72 = tpu.memref_slice %arg4[%add3A_64, %dma_wait3A_71] : memref<16384x256xf32, #tpu.memory_space<hbm>> -> memref<128x256xf32, #tpu.memory_space<hbm>>
      tpu.wait_dma2 semaphore(%run_scoped3A : memref<!tpu.dma_semaphore, #tpu.memory_space<semaphore_mem>>) src(%arg7 : memref<128x256xf32, #tpu.memory_space<vmem>>) dst(%dma_wait3A_72 : memref<128x256xf32, #tpu.memory_space<hbm>>)
      tpu.yield
    }) : () -> ()
    return
  }
}

module attributes {stable_mosaic.version = 14 : i64} {
  func.func @_dist_argmax_kernel(%arg0: i32, %arg1: memref<1024x256xbf16, #tpu.memory_space<vmem>>, %arg2: memref<8192x256xbf16, #tpu.memory_space<vmem>>, %arg3: memref<1024x1xf32, #tpu.memory_space<vmem>>, %arg4: memref<1x8192xf32, #tpu.memory_space<vmem>>, %arg5: memref<1x1x1024xi32, #tpu.memory_space<vmem>>, %arg6: memref<1024x8192xf32, #tpu.memory_space<vmem>>) attributes {dimension_semantics = [#tpu.dimension_semantics<arbitrary>], iteration_bounds = array<i64: 16>, scalar_prefetch = 0 : i64, scratch_operands = 1 : i64, tpu.core_type = #tpu.core_type<tc>, window_params = [{transform_indices = @transform_0, window_bounds = array<i64: 1024, 256>}, {pipeline_mode = #tpu.pipeline_mode<synchronous>, transform_indices = @transform_1, window_bounds = array<i64: 8192, 256>}, {transform_indices = @transform_2, window_bounds = array<i64: 1024, 1>}, {pipeline_mode = #tpu.pipeline_mode<synchronous>, transform_indices = @transform_3, window_bounds = array<i64: 1, 8192>}, {transform_indices = @transform_4, window_bounds = array<i64: 1, 1, 1024>}]} {
    %get3A = arith.constant 0 : index
    %get3A_0 = arith.constant 0 : index
    %get3A_1 = vector.load %arg1[%get3A, %get3A_0] : memref<1024x256xbf16, #tpu.memory_space<vmem>>, vector<1024x256xbf16>
    %get3A_2 = arith.constant 0 : index
    %get3A_3 = arith.constant 0 : index
    %get3A_4 = vector.load %arg2[%get3A_2, %get3A_3] : memref<8192x256xbf16, #tpu.memory_space<vmem>>, vector<8192x256xbf16>
    %dot_general3A = arith.constant dense<0.000000e+00> : vector<1024x8192xf32>
    %dot_general3A_5 = tpu.matmul %get3A_1, %get3A_4, %dot_general3A {dimension_numbers = #tpu.dot_dimension_numbers<[1], [1], [0], [0], [0, 0, 1, 0], [], []>, transpose_lhs_hint = false} : vector<1024x256xbf16>, vector<8192x256xbf16>, vector<1024x8192xf32> -> vector<1024x8192xf32>
    %get3A_6 = arith.constant 0 : index
    %get3A_7 = arith.constant 0 : index
    %get3A_8 = vector.load %arg3[%get3A_6, %get3A_7] : memref<1024x1xf32, #tpu.memory_space<vmem>>, vector<1024x1xf32>
    %sub3A = vector.broadcast %get3A_8 : vector<1024x1xf32> to vector<1024x8192xf32>
    %sub3A_9 = arith.subf %sub3A, %dot_general3A_5 : vector<1024x8192xf32>
    %get3A_10 = arith.constant 0 : index
    %get3A_11 = arith.constant 0 : index
    %get3A_12 = vector.load %arg4[%get3A_10, %get3A_11] : memref<1x8192xf32, #tpu.memory_space<vmem>>, vector<1x8192xf32>
    %add3A = vector.broadcast %get3A_12 : vector<1x8192xf32> to vector<1024x8192xf32>
    %add3A_13 = arith.addf %sub3A_9, %add3A : vector<1024x8192xf32>
    %swap3A = arith.constant 0 : index
    %swap3A_14 = arith.constant 0 : index
    %swap3A_15 = vector.load %arg6[%swap3A, %swap3A_14] : memref<1024x8192xf32, #tpu.memory_space<vmem>>, vector<1024x8192xf32>
    tpu.vector_store %arg6[%swap3A, %swap3A_14], %add3A_13 {strides = array<i32>} : memref<1024x8192xf32, #tpu.memory_space<vmem>>, vector<1024x8192xf32>,
    %iota3A = tpu.iota {dimensions = array<i32: 1>} : vector<1024x128xi32>
    %convert_element_type3A = arith.sitofp %iota3A : vector<1024x128xi32> to vector<1024x128xf32>
    %lt3A = arith.constant 48 : i32
    %lt3A_16 = vector.broadcast %lt3A : i32 to vector<1024x128xi32>
    %lt3A_17 = arith.cmpi slt, %iota3A, %lt3A_16 : vector<1024x128xi32>
    %broadcast_in_dim3A = arith.constant 0x7F800000 : f32
    %broadcast_in_dim3A_18 = vector.broadcast %broadcast_in_dim3A : f32 to vector<1024x128xf32>
    %broadcast_in_dim3A_19 = arith.constant 0.000000e+00 : f32
    %broadcast_in_dim3A_20 = vector.broadcast %broadcast_in_dim3A_19 : f32 to vector<1024x128xf32>
    %get3A_21 = arith.constant 0 : index
    %get3A_22 = arith.constant 0 : index
    %get3A_23 = vector.load %arg6[%get3A_21, %get3A_22] : memref<1024x8192xf32, #tpu.memory_space<vmem>>, vector<1024x128xf32>
    %lt3A_24 = arith.cmpf olt, %get3A_23, %broadcast_in_dim3A_18 : vector<1024x128xf32>
    %select_n3A = arith.select %lt3A_24, %get3A_23, %broadcast_in_dim3A_18 : vector<1024x128xi1>, vector<1024x128xf32>
    %jit3A = arith.constant 0.000000e+00 : f32
    %broadcast_in_dim3A_25 = vector.broadcast %jit3A : f32 to vector<1024x128xf32>
    %select_n3A_26 = arith.select %lt3A_24, %broadcast_in_dim3A_25, %broadcast_in_dim3A_20 : vector<1024x128xi1>, vector<1024x128xf32>
    %get3A_27 = arith.constant 0 : index
    %get3A_28 = arith.constant 128 : index
    %get3A_29 = vector.load %arg6[%get3A_27, %get3A_28] : memref<1024x8192xf32, #tpu.memory_space<vmem>>, vector<1024x128xf32>
    %lt3A_30 = arith.cmpf olt, %get3A_29, %select_n3A : vector<1024x128xf32>
    %select_n3A_31 = arith.select %lt3A_30, %get3A_29, %select_n3A : vector<1024x128xi1>, vector<1024x128xf32>
    %jit3A_32 = arith.constant 1.000000e+00 : f32
    %broadcast_in_dim3A_33 = vector.broadcast %jit3A_32 : f32 to vector<1024x128xf32>
    %select_n3A_34 = arith.select %lt3A_30, %broadcast_in_dim3A_33, %select_n3A_26 : vector<1024x128xi1>, vector<1024x128xf32>
    %get3A_35 = arith.constant 0 : index
    %get3A_36 = arith.constant 256 : index
    %get3A_37 = vector.load %arg6[%get3A_35, %get3A_36] : memref<1024x8192xf32, #tpu.memory_space<vmem>>, vector<1024x128xf32>
    %lt3A_38 = arith.cmpf olt, %get3A_37, %select_n3A_31 : vector<1024x128xf32>
    %select_n3A_39 = arith.select %lt3A_38, %get3A_37, %select_n3A_31 : vector<1024x128xi1>, vector<1024x128xf32>
    %jit3A_40 = arith.constant 2.000000e+00 : f32
    %broadcast_in_dim3A_41 = vector.broadcast %jit3A_40 : f32 to vector<1024x128xf32>
    %select_n3A_42 = arith.select %lt3A_38, %broadcast_in_dim3A_41, %select_n3A_34 : vector<1024x128xi1>, vector<1024x128xf32>
    %get3A_43 = arith.constant 0 : index
    %get3A_44 = arith.constant 384 : index
    %get3A_45 = vector.load %arg6[%get3A_43, %get3A_44] : memref<1024x8192xf32, #tpu.memory_space<vmem>>, vector<1024x128xf32>
    %lt3A_46 = arith.cmpf olt, %get3A_45, %select_n3A_39 : vector<1024x128xf32>
    %select_n3A_47 = arith.select %lt3A_46, %get3A_45, %select_n3A_39 : vector<1024x128xi1>, vector<1024x128xf32>
    %jit3A_48 = arith.constant 3.000000e+00 : f32
    %broadcast_in_dim3A_49 = vector.broadcast %jit3A_48 : f32 to vector<1024x128xf32>
    %select_n3A_50 = arith.select %lt3A_46, %broadcast_in_dim3A_49, %select_n3A_42 : vector<1024x128xi1>, vector<1024x128xf32>
    %get3A_51 = arith.constant 0 : index
    %get3A_52 = arith.constant 512 : index
    %get3A_53 = vector.load %arg6[%get3A_51, %get3A_52] : memref<1024x8192xf32, #tpu.memory_space<vmem>>, vector<1024x128xf32>
    %lt3A_54 = arith.cmpf olt, %get3A_53, %select_n3A_47 : vector<1024x128xf32>
    %select_n3A_55 = arith.select %lt3A_54, %get3A_53, %select_n3A_47 : vector<1024x128xi1>, vector<1024x128xf32>
    %jit3A_56 = arith.constant 4.000000e+00 : f32
    %broadcast_in_dim3A_57 = vector.broadcast %jit3A_56 : f32 to vector<1024x128xf32>
    %select_n3A_58 = arith.select %lt3A_54, %broadcast_in_dim3A_57, %select_n3A_50 : vector<1024x128xi1>, vector<1024x128xf32>
    %get3A_59 = arith.constant 0 : index
    %get3A_60 = arith.constant 640 : index
    %get3A_61 = vector.load %arg6[%get3A_59, %get3A_60] : memref<1024x8192xf32, #tpu.memory_space<vmem>>, vector<1024x128xf32>
    %lt3A_62 = arith.cmpf olt, %get3A_61, %select_n3A_55 : vector<1024x128xf32>
    %select_n3A_63 = arith.select %lt3A_62, %get3A_61, %select_n3A_55 : vector<1024x128xi1>, vector<1024x128xf32>
    %jit3A_64 = arith.constant 5.000000e+00 : f32
    %broadcast_in_dim3A_65 = vector.broadcast %jit3A_64 : f32 to vector<1024x128xf32>
    %select_n3A_66 = arith.select %lt3A_62, %broadcast_in_dim3A_65, %select_n3A_58 : vector<1024x128xi1>, vector<1024x128xf32>
    %get3A_67 = arith.constant 0 : index
    %get3A_68 = arith.constant 768 : index
    %get3A_69 = vector.load %arg6[%get3A_67, %get3A_68] : memref<1024x8192xf32, #tpu.memory_space<vmem>>, vector<1024x128xf32>
    %lt3A_70 = arith.cmpf olt, %get3A_69, %select_n3A_63 : vector<1024x128xf32>
    %select_n3A_71 = arith.select %lt3A_70, %get3A_69, %select_n3A_63 : vector<1024x128xi1>, vector<1024x128xf32>
    %jit3A_72 = arith.constant 6.000000e+00 : f32
    %broadcast_in_dim3A_73 = vector.broadcast %jit3A_72 : f32 to vector<1024x128xf32>
    %select_n3A_74 = arith.select %lt3A_70, %broadcast_in_dim3A_73, %select_n3A_66 : vector<1024x128xi1>, vector<1024x128xf32>
    %get3A_75 = arith.constant 0 : index
    %get3A_76 = arith.constant 896 : index
    %get3A_77 = vector.load %arg6[%get3A_75, %get3A_76] : memref<1024x8192xf32, #tpu.memory_space<vmem>>, vector<1024x128xf32>
    %lt3A_78 = arith.cmpf olt, %get3A_77, %select_n3A_71 : vector<1024x128xf32>
    %select_n3A_79 = arith.select %lt3A_78, %get3A_77, %select_n3A_71 : vector<1024x128xi1>, vector<1024x128xf32>
    %jit3A_80 = arith.constant 7.000000e+00 : f32
    %broadcast_in_dim3A_81 = vector.broadcast %jit3A_80 : f32 to vector<1024x128xf32>
    %select_n3A_82 = arith.select %lt3A_78, %broadcast_in_dim3A_81, %select_n3A_74 : vector<1024x128xi1>, vector<1024x128xf32>
    %get3A_83 = arith.constant 0 : index
    %get3A_84 = arith.constant 1024 : index
    %get3A_85 = vector.load %arg6[%get3A_83, %get3A_84] : memref<1024x8192xf32, #tpu.memory_space<vmem>>, vector<1024x128xf32>
    %lt3A_86 = arith.cmpf olt, %get3A_85, %select_n3A_79 : vector<1024x128xf32>
    %select_n3A_87 = arith.select %lt3A_86, %get3A_85, %select_n3A_79 : vector<1024x128xi1>, vector<1024x128xf32>
    %jit3A_88 = arith.constant 8.000000e+00 : f32
    %broadcast_in_dim3A_89 = vector.broadcast %jit3A_88 : f32 to vector<1024x128xf32>
    %select_n3A_90 = arith.select %lt3A_86, %broadcast_in_dim3A_89, %select_n3A_82 : vector<1024x128xi1>, vector<1024x128xf32>
    %get3A_91 = arith.constant 0 : index
    %get3A_92 = arith.constant 1152 : index
    %get3A_93 = vector.load %arg6[%get3A_91, %get3A_92] : memref<1024x8192xf32, #tpu.memory_space<vmem>>, vector<1024x128xf32>
    %lt3A_94 = arith.cmpf olt, %get3A_93, %select_n3A_87 : vector<1024x128xf32>
    %select_n3A_95 = arith.select %lt3A_94, %get3A_93, %select_n3A_87 : vector<1024x128xi1>, vector<1024x128xf32>
    %jit3A_96 = arith.constant 9.000000e+00 : f32
    %broadcast_in_dim3A_97 = vector.broadcast %jit3A_96 : f32 to vector<1024x128xf32>
    %select_n3A_98 = arith.select %lt3A_94, %broadcast_in_dim3A_97, %select_n3A_90 : vector<1024x128xi1>, vector<1024x128xf32>
    %get3A_99 = arith.constant 0 : index
    %get3A_100 = arith.constant 1280 : index
    %get3A_101 = vector.load %arg6[%get3A_99, %get3A_100] : memref<1024x8192xf32, #tpu.memory_space<vmem>>, vector<1024x128xf32>
    %lt3A_102 = arith.cmpf olt, %get3A_101, %select_n3A_95 : vector<1024x128xf32>
    %select_n3A_103 = arith.select %lt3A_102, %get3A_101, %select_n3A_95 : vector<1024x128xi1>, vector<1024x128xf32>
    %jit3A_104 = arith.constant 1.000000e+01 : f32
    %broadcast_in_dim3A_105 = vector.broadcast %jit3A_104 : f32 to vector<1024x128xf32>
    %select_n3A_106 = arith.select %lt3A_102, %broadcast_in_dim3A_105, %select_n3A_98 : vector<1024x128xi1>, vector<1024x128xf32>
    %get3A_107 = arith.constant 0 : index
    %get3A_108 = arith.constant 1408 : index
    %get3A_109 = vector.load %arg6[%get3A_107, %get3A_108] : memref<1024x8192xf32, #tpu.memory_space<vmem>>, vector<1024x128xf32>
    %lt3A_110 = arith.cmpf olt, %get3A_109, %select_n3A_103 : vector<1024x128xf32>
    %select_n3A_111 = arith.select %lt3A_110, %get3A_109, %select_n3A_103 : vector<1024x128xi1>, vector<1024x128xf32>
    %jit3A_112 = arith.constant 1.100000e+01 : f32
    %broadcast_in_dim3A_113 = vector.broadcast %jit3A_112 : f32 to vector<1024x128xf32>
    %select_n3A_114 = arith.select %lt3A_110, %broadcast_in_dim3A_113, %select_n3A_106 : vector<1024x128xi1>, vector<1024x128xf32>
    %get3A_115 = arith.constant 0 : index
    %get3A_116 = arith.constant 1536 : index
    %get3A_117 = vector.load %arg6[%get3A_115, %get3A_116] : memref<1024x8192xf32, #tpu.memory_space<vmem>>, vector<1024x128xf32>
    %lt3A_118 = arith.cmpf olt, %get3A_117, %select_n3A_111 : vector<1024x128xf32>
    %select_n3A_119 = arith.select %lt3A_118, %get3A_117, %select_n3A_111 : vector<1024x128xi1>, vector<1024x128xf32>
    %jit3A_120 = arith.constant 1.200000e+01 : f32
    %broadcast_in_dim3A_121 = vector.broadcast %jit3A_120 : f32 to vector<1024x128xf32>
    %select_n3A_122 = arith.select %lt3A_118, %broadcast_in_dim3A_121, %select_n3A_114 : vector<1024x128xi1>, vector<1024x128xf32>
    %get3A_123 = arith.constant 0 : index
    %get3A_124 = arith.constant 1664 : index
    %get3A_125 = vector.load %arg6[%get3A_123, %get3A_124] : memref<1024x8192xf32, #tpu.memory_space<vmem>>, vector<1024x128xf32>
    %lt3A_126 = arith.cmpf olt, %get3A_125, %select_n3A_119 : vector<1024x128xf32>
    %select_n3A_127 = arith.select %lt3A_126, %get3A_125, %select_n3A_119 : vector<1024x128xi1>, vector<1024x128xf32>
    %jit3A_128 = arith.constant 1.300000e+01 : f32
    %broadcast_in_dim3A_129 = vector.broadcast %jit3A_128 : f32 to vector<1024x128xf32>
    %select_n3A_130 = arith.select %lt3A_126, %broadcast_in_dim3A_129, %select_n3A_122 : vector<1024x128xi1>, vector<1024x128xf32>
    %get3A_131 = arith.constant 0 : index
    %get3A_132 = arith.constant 1792 : index
    %get3A_133 = vector.load %arg6[%get3A_131, %get3A_132] : memref<1024x8192xf32, #tpu.memory_space<vmem>>, vector<1024x128xf32>
    %lt3A_134 = arith.cmpf olt, %get3A_133, %select_n3A_127 : vector<1024x128xf32>
    %select_n3A_135 = arith.select %lt3A_134, %get3A_133, %select_n3A_127 : vector<1024x128xi1>, vector<1024x128xf32>
    %jit3A_136 = arith.constant 1.400000e+01 : f32
    %broadcast_in_dim3A_137 = vector.broadcast %jit3A_136 : f32 to vector<1024x128xf32>
    %select_n3A_138 = arith.select %lt3A_134, %broadcast_in_dim3A_137, %select_n3A_130 : vector<1024x128xi1>, vector<1024x128xf32>
    %get3A_139 = arith.constant 0 : index
    %get3A_140 = arith.constant 1920 : index
    %get3A_141 = vector.load %arg6[%get3A_139, %get3A_140] : memref<1024x8192xf32, #tpu.memory_space<vmem>>, vector<1024x128xf32>
    %lt3A_142 = arith.cmpf olt, %get3A_141, %select_n3A_135 : vector<1024x128xf32>
    %select_n3A_143 = arith.select %lt3A_142, %get3A_141, %select_n3A_135 : vector<1024x128xi1>, vector<1024x128xf32>
    %jit3A_144 = arith.constant 1.500000e+01 : f32
    %broadcast_in_dim3A_145 = vector.broadcast %jit3A_144 : f32 to vector<1024x128xf32>
    %select_n3A_146 = arith.select %lt3A_142, %broadcast_in_dim3A_145, %select_n3A_138 : vector<1024x128xi1>, vector<1024x128xf32>
    %get3A_147 = arith.constant 0 : index
    %get3A_148 = arith.constant 2048 : index
    %get3A_149 = vector.load %arg6[%get3A_147, %get3A_148] : memref<1024x8192xf32, #tpu.memory_space<vmem>>, vector<1024x128xf32>
    %lt3A_150 = arith.cmpf olt, %get3A_149, %select_n3A_143 : vector<1024x128xf32>
    %select_n3A_151 = arith.select %lt3A_150, %get3A_149, %select_n3A_143 : vector<1024x128xi1>, vector<1024x128xf32>
    %jit3A_152 = arith.constant 1.600000e+01 : f32
    %broadcast_in_dim3A_153 = vector.broadcast %jit3A_152 : f32 to vector<1024x128xf32>
    %select_n3A_154 = arith.select %lt3A_150, %broadcast_in_dim3A_153, %select_n3A_146 : vector<1024x128xi1>, vector<1024x128xf32>
    %get3A_155 = arith.constant 0 : index
    %get3A_156 = arith.constant 2176 : index
    %get3A_157 = vector.load %arg6[%get3A_155, %get3A_156] : memref<1024x8192xf32, #tpu.memory_space<vmem>>, vector<1024x128xf32>
    %lt3A_158 = arith.cmpf olt, %get3A_157, %select_n3A_151 : vector<1024x128xf32>
    %select_n3A_159 = arith.select %lt3A_158, %get3A_157, %select_n3A_151 : vector<1024x128xi1>, vector<1024x128xf32>
    %jit3A_160 = arith.constant 1.700000e+01 : f32
    %broadcast_in_dim3A_161 = vector.broadcast %jit3A_160 : f32 to vector<1024x128xf32>
    %select_n3A_162 = arith.select %lt3A_158, %broadcast_in_dim3A_161, %select_n3A_154 : vector<1024x128xi1>, vector<1024x128xf32>
    %get3A_163 = arith.constant 0 : index
    %get3A_164 = arith.constant 2304 : index
    %get3A_165 = vector.load %arg6[%get3A_163, %get3A_164] : memref<1024x8192xf32, #tpu.memory_space<vmem>>, vector<1024x128xf32>
    %lt3A_166 = arith.cmpf olt, %get3A_165, %select_n3A_159 : vector<1024x128xf32>
    %select_n3A_167 = arith.select %lt3A_166, %get3A_165, %select_n3A_159 : vector<1024x128xi1>, vector<1024x128xf32>
    %jit3A_168 = arith.constant 1.800000e+01 : f32
    %broadcast_in_dim3A_169 = vector.broadcast %jit3A_168 : f32 to vector<1024x128xf32>
    %select_n3A_170 = arith.select %lt3A_166, %broadcast_in_dim3A_169, %select_n3A_162 : vector<1024x128xi1>, vector<1024x128xf32>
    %get3A_171 = arith.constant 0 : index
    %get3A_172 = arith.constant 2432 : index
    %get3A_173 = vector.load %arg6[%get3A_171, %get3A_172] : memref<1024x8192xf32, #tpu.memory_space<vmem>>, vector<1024x128xf32>
    %lt3A_174 = arith.cmpf olt, %get3A_173, %select_n3A_167 : vector<1024x128xf32>
    %select_n3A_175 = arith.select %lt3A_174, %get3A_173, %select_n3A_167 : vector<1024x128xi1>, vector<1024x128xf32>
    %jit3A_176 = arith.constant 1.900000e+01 : f32
    %broadcast_in_dim3A_177 = vector.broadcast %jit3A_176 : f32 to vector<1024x128xf32>
    %select_n3A_178 = arith.select %lt3A_174, %broadcast_in_dim3A_177, %select_n3A_170 : vector<1024x128xi1>, vector<1024x128xf32>
    %get3A_179 = arith.constant 0 : index
    %get3A_180 = arith.constant 2560 : index
    %get3A_181 = vector.load %arg6[%get3A_179, %get3A_180] : memref<1024x8192xf32, #tpu.memory_space<vmem>>, vector<1024x128xf32>
    %lt3A_182 = arith.cmpf olt, %get3A_181, %select_n3A_175 : vector<1024x128xf32>
    %select_n3A_183 = arith.select %lt3A_182, %get3A_181, %select_n3A_175 : vector<1024x128xi1>, vector<1024x128xf32>
    %jit3A_184 = arith.constant 2.000000e+01 : f32
    %broadcast_in_dim3A_185 = vector.broadcast %jit3A_184 : f32 to vector<1024x128xf32>
    %select_n3A_186 = arith.select %lt3A_182, %broadcast_in_dim3A_185, %select_n3A_178 : vector<1024x128xi1>, vector<1024x128xf32>
    %get3A_187 = arith.constant 0 : index
    %get3A_188 = arith.constant 2688 : index
    %get3A_189 = vector.load %arg6[%get3A_187, %get3A_188] : memref<1024x8192xf32, #tpu.memory_space<vmem>>, vector<1024x128xf32>
    %jit3A_190 = arith.constant 0x7F800000 : f32
    %broadcast_in_dim3A_191 = vector.broadcast %jit3A_190 : f32 to vector<1024x128xf32>
    %select_n3A_192 = arith.select %lt3A_17, %get3A_189, %broadcast_in_dim3A_191 : vector<1024x128xi1>, vector<1024x128xf32>
    %lt3A_193 = arith.cmpf olt, %select_n3A_192, %select_n3A_183 : vector<1024x128xf32>
    %select_n3A_194 = arith.select %lt3A_193, %select_n3A_192, %select_n3A_183 : vector<1024x128xi1>, vector<1024x128xf32>
    %jit3A_195 = arith.constant 2.100000e+01 : f32
    %broadcast_in_dim3A_196 = vector.broadcast %jit3A_195 : f32 to vector<1024x128xf32>
    %select_n3A_197 = arith.select %lt3A_193, %broadcast_in_dim3A_196, %select_n3A_186 : vector<1024x128xi1>, vector<1024x128xf32>
    %reduce_min3A = arith.constant dense<0x7F800000> : vector<1024xf32>
    %reduce_min3A_198 = vector.multi_reduction <minimumf>, %select_n3A_194, %reduce_min3A [1] : vector<1024x128xf32> to vector<1024xf32>
    %mul3A = arith.constant 1.280000e+02 : f32
    %mul3A_199 = vector.broadcast %mul3A : f32 to vector<1024x128xf32>
    %mul3A_200 = arith.mulf %select_n3A_197, %mul3A_199 : vector<1024x128xf32>
    %add3A_201 = arith.addf %mul3A_200, %convert_element_type3A : vector<1024x128xf32>
    %broadcast_in_dim3A_202 = vector.shape_cast %reduce_min3A_198 : vector<1024xf32> to vector<1024x1xf32>
    %eq3A = vector.broadcast %broadcast_in_dim3A_202 : vector<1024x1xf32> to vector<1024x128xf32>
    %eq3A_203 = arith.cmpf oeq, %select_n3A_194, %eq3A : vector<1024x128xf32>
    %jit3A_204 = arith.constant 8.192000e+03 : f32
    %broadcast_in_dim3A_205 = vector.broadcast %jit3A_204 : f32 to vector<1024x128xf32>
    %select_n3A_206 = arith.select %eq3A_203, %add3A_201, %broadcast_in_dim3A_205 : vector<1024x128xi1>, vector<1024x128xf32>
    %reduce_min3A_207 = arith.constant dense<0x7F800000> : vector<1024xf32>
    %reduce_min3A_208 = vector.multi_reduction <minimumf>, %select_n3A_206, %reduce_min3A_207 [1] : vector<1024x128xf32> to vector<1024xf32>
    %ge3A = arith.constant 48 : i32
    %ge3A_209 = vector.broadcast %ge3A : i32 to vector<1024x128xi32>
    %ge3A_210 = arith.cmpi sge, %iota3A, %ge3A_209 : vector<1024x128xi32>
    %lt3A_211 = arith.constant 96 : i32
    %lt3A_212 = vector.broadcast %lt3A_211 : i32 to vector<1024x128xi32>
    %lt3A_213 = arith.cmpi slt, %iota3A, %lt3A_212 : vector<1024x128xi32>
    %broadcast_in_dim3A_214 = arith.constant 0x7F800000 : f32
    %broadcast_in_dim3A_215 = vector.broadcast %broadcast_in_dim3A_214 : f32 to vector<1024x128xf32>
    %broadcast_in_dim3A_216 = arith.constant 0.000000e+00 : f32
    %broadcast_in_dim3A_217 = vector.broadcast %broadcast_in_dim3A_216 : f32 to vector<1024x128xf32>
    %get3A_218 = arith.constant 0 : index
    %get3A_219 = arith.constant 2688 : index
    %get3A_220 = vector.load %arg6[%get3A_218, %get3A_219] : memref<1024x8192xf32, #tpu.memory_space<vmem>>, vector<1024x128xf32>
    %jit3A_221 = arith.constant 0x7F800000 : f32
    %broadcast_in_dim3A_222 = vector.broadcast %jit3A_221 : f32 to vector<1024x128xf32>
    %select_n3A_223 = arith.select %ge3A_210, %get3A_220, %broadcast_in_dim3A_222 : vector<1024x128xi1>, vector<1024x128xf32>
    %lt3A_224 = arith.cmpf olt, %select_n3A_223, %broadcast_in_dim3A_215 : vector<1024x128xf32>
    %select_n3A_225 = arith.select %lt3A_224, %select_n3A_223, %broadcast_in_dim3A_215 : vector<1024x128xi1>, vector<1024x128xf32>
    %jit3A_226 = arith.constant 2.100000e+01 : f32
    %broadcast_in_dim3A_227 = vector.broadcast %jit3A_226 : f32 to vector<1024x128xf32>
    %select_n3A_228 = arith.select %lt3A_224, %broadcast_in_dim3A_227, %broadcast_in_dim3A_217 : vector<1024x128xi1>, vector<1024x128xf32>
    %get3A_229 = arith.constant 0 : index
    %get3A_230 = arith.constant 2816 : index
    %get3A_231 = vector.load %arg6[%get3A_229, %get3A_230] : memref<1024x8192xf32, #tpu.memory_space<vmem>>, vector<1024x128xf32>
    %lt3A_232 = arith.cmpf olt, %get3A_231, %select_n3A_225 : vector<1024x128xf32>
    %select_n3A_233 = arith.select %lt3A_232, %get3A_231, %select_n3A_225 : vector<1024x128xi1>, vector<1024x128xf32>
    %jit3A_234 = arith.constant 2.200000e+01 : f32
    %broadcast_in_dim3A_235 = vector.broadcast %jit3A_234 : f32 to vector<1024x128xf32>
    %select_n3A_236 = arith.select %lt3A_232, %broadcast_in_dim3A_235, %select_n3A_228 : vector<1024x128xi1>, vector<1024x128xf32>
    %get3A_237 = arith.constant 0 : index
    %get3A_238 = arith.constant 2944 : index
    %get3A_239 = vector.load %arg6[%get3A_237, %get3A_238] : memref<1024x8192xf32, #tpu.memory_space<vmem>>, vector<1024x128xf32>
    %lt3A_240 = arith.cmpf olt, %get3A_239, %select_n3A_233 : vector<1024x128xf32>
    %select_n3A_241 = arith.select %lt3A_240, %get3A_239, %select_n3A_233 : vector<1024x128xi1>, vector<1024x128xf32>
    %jit3A_242 = arith.constant 2.300000e+01 : f32
    %broadcast_in_dim3A_243 = vector.broadcast %jit3A_242 : f32 to vector<1024x128xf32>
    %select_n3A_244 = arith.select %lt3A_240, %broadcast_in_dim3A_243, %select_n3A_236 : vector<1024x128xi1>, vector<1024x128xf32>
    %get3A_245 = arith.constant 0 : index
    %get3A_246 = arith.constant 3072 : index
    %get3A_247 = vector.load %arg6[%get3A_245, %get3A_246] : memref<1024x8192xf32, #tpu.memory_space<vmem>>, vector<1024x128xf32>
    %lt3A_248 = arith.cmpf olt, %get3A_247, %select_n3A_241 : vector<1024x128xf32>
    %select_n3A_249 = arith.select %lt3A_248, %get3A_247, %select_n3A_241 : vector<1024x128xi1>, vector<1024x128xf32>
    %jit3A_250 = arith.constant 2.400000e+01 : f32
    %broadcast_in_dim3A_251 = vector.broadcast %jit3A_250 : f32 to vector<1024x128xf32>
    %select_n3A_252 = arith.select %lt3A_248, %broadcast_in_dim3A_251, %select_n3A_244 : vector<1024x128xi1>, vector<1024x128xf32>
    %get3A_253 = arith.constant 0 : index
    %get3A_254 = arith.constant 3200 : index
    %get3A_255 = vector.load %arg6[%get3A_253, %get3A_254] : memref<1024x8192xf32, #tpu.memory_space<vmem>>, vector<1024x128xf32>
    %lt3A_256 = arith.cmpf olt, %get3A_255, %select_n3A_249 : vector<1024x128xf32>
    %select_n3A_257 = arith.select %lt3A_256, %get3A_255, %select_n3A_249 : vector<1024x128xi1>, vector<1024x128xf32>
    %jit3A_258 = arith.constant 2.500000e+01 : f32
    %broadcast_in_dim3A_259 = vector.broadcast %jit3A_258 : f32 to vector<1024x128xf32>
    %select_n3A_260 = arith.select %lt3A_256, %broadcast_in_dim3A_259, %select_n3A_252 : vector<1024x128xi1>, vector<1024x128xf32>
    %get3A_261 = arith.constant 0 : index
    %get3A_262 = arith.constant 3328 : index
    %get3A_263 = vector.load %arg6[%get3A_261, %get3A_262] : memref<1024x8192xf32, #tpu.memory_space<vmem>>, vector<1024x128xf32>
    %lt3A_264 = arith.cmpf olt, %get3A_263, %select_n3A_257 : vector<1024x128xf32>
    %select_n3A_265 = arith.select %lt3A_264, %get3A_263, %select_n3A_257 : vector<1024x128xi1>, vector<1024x128xf32>
    %jit3A_266 = arith.constant 2.600000e+01 : f32
    %broadcast_in_dim3A_267 = vector.broadcast %jit3A_266 : f32 to vector<1024x128xf32>
    %select_n3A_268 = arith.select %lt3A_264, %broadcast_in_dim3A_267, %select_n3A_260 : vector<1024x128xi1>, vector<1024x128xf32>
    %get3A_269 = arith.constant 0 : index
    %get3A_270 = arith.constant 3456 : index
    %get3A_271 = vector.load %arg6[%get3A_269, %get3A_270] : memref<1024x8192xf32, #tpu.memory_space<vmem>>, vector<1024x128xf32>
    %lt3A_272 = arith.cmpf olt, %get3A_271, %select_n3A_265 : vector<1024x128xf32>
    %select_n3A_273 = arith.select %lt3A_272, %get3A_271, %select_n3A_265 : vector<1024x128xi1>, vector<1024x128xf32>
    %jit3A_274 = arith.constant 2.700000e+01 : f32
    %broadcast_in_dim3A_275 = vector.broadcast %jit3A_274 : f32 to vector<1024x128xf32>
    %select_n3A_276 = arith.select %lt3A_272, %broadcast_in_dim3A_275, %select_n3A_268 : vector<1024x128xi1>, vector<1024x128xf32>
    %get3A_277 = arith.constant 0 : index
    %get3A_278 = arith.constant 3584 : index
    %get3A_279 = vector.load %arg6[%get3A_277, %get3A_278] : memref<1024x8192xf32, #tpu.memory_space<vmem>>, vector<1024x128xf32>
    %lt3A_280 = arith.cmpf olt, %get3A_279, %select_n3A_273 : vector<1024x128xf32>
    %select_n3A_281 = arith.select %lt3A_280, %get3A_279, %select_n3A_273 : vector<1024x128xi1>, vector<1024x128xf32>
    %jit3A_282 = arith.constant 2.800000e+01 : f32
    %broadcast_in_dim3A_283 = vector.broadcast %jit3A_282 : f32 to vector<1024x128xf32>
    %select_n3A_284 = arith.select %lt3A_280, %broadcast_in_dim3A_283, %select_n3A_276 : vector<1024x128xi1>, vector<1024x128xf32>
    %get3A_285 = arith.constant 0 : index
    %get3A_286 = arith.constant 3712 : index
    %get3A_287 = vector.load %arg6[%get3A_285, %get3A_286] : memref<1024x8192xf32, #tpu.memory_space<vmem>>, vector<1024x128xf32>
    %lt3A_288 = arith.cmpf olt, %get3A_287, %select_n3A_281 : vector<1024x128xf32>
    %select_n3A_289 = arith.select %lt3A_288, %get3A_287, %select_n3A_281 : vector<1024x128xi1>, vector<1024x128xf32>
    %jit3A_290 = arith.constant 2.900000e+01 : f32
    %broadcast_in_dim3A_291 = vector.broadcast %jit3A_290 : f32 to vector<1024x128xf32>
    %select_n3A_292 = arith.select %lt3A_288, %broadcast_in_dim3A_291, %select_n3A_284 : vector<1024x128xi1>, vector<1024x128xf32>
    %get3A_293 = arith.constant 0 : index
    %get3A_294 = arith.constant 3840 : index
    %get3A_295 = vector.load %arg6[%get3A_293, %get3A_294] : memref<1024x8192xf32, #tpu.memory_space<vmem>>, vector<1024x128xf32>
    %lt3A_296 = arith.cmpf olt, %get3A_295, %select_n3A_289 : vector<1024x128xf32>
    %select_n3A_297 = arith.select %lt3A_296, %get3A_295, %select_n3A_289 : vector<1024x128xi1>, vector<1024x128xf32>
    %jit3A_298 = arith.constant 3.000000e+01 : f32
    %broadcast_in_dim3A_299 = vector.broadcast %jit3A_298 : f32 to vector<1024x128xf32>
    %select_n3A_300 = arith.select %lt3A_296, %broadcast_in_dim3A_299, %select_n3A_292 : vector<1024x128xi1>, vector<1024x128xf32>
    %get3A_301 = arith.constant 0 : index
    %get3A_302 = arith.constant 3968 : index
    %get3A_303 = vector.load %arg6[%get3A_301, %get3A_302] : memref<1024x8192xf32, #tpu.memory_space<vmem>>, vector<1024x128xf32>
    %lt3A_304 = arith.cmpf olt, %get3A_303, %select_n3A_297 : vector<1024x128xf32>
    %select_n3A_305 = arith.select %lt3A_304, %get3A_303, %select_n3A_297 : vector<1024x128xi1>, vector<1024x128xf32>
    %jit3A_306 = arith.constant 3.100000e+01 : f32
    %broadcast_in_dim3A_307 = vector.broadcast %jit3A_306 : f32 to vector<1024x128xf32>
    %select_n3A_308 = arith.select %lt3A_304, %broadcast_in_dim3A_307, %select_n3A_300 : vector<1024x128xi1>, vector<1024x128xf32>
    %get3A_309 = arith.constant 0 : index
    %get3A_310 = arith.constant 4096 : index
    %get3A_311 = vector.load %arg6[%get3A_309, %get3A_310] : memref<1024x8192xf32, #tpu.memory_space<vmem>>, vector<1024x128xf32>
    %lt3A_312 = arith.cmpf olt, %get3A_311, %select_n3A_305 : vector<1024x128xf32>
    %select_n3A_313 = arith.select %lt3A_312, %get3A_311, %select_n3A_305 : vector<1024x128xi1>, vector<1024x128xf32>
    %jit3A_314 = arith.constant 3.200000e+01 : f32
    %broadcast_in_dim3A_315 = vector.broadcast %jit3A_314 : f32 to vector<1024x128xf32>
    %select_n3A_316 = arith.select %lt3A_312, %broadcast_in_dim3A_315, %select_n3A_308 : vector<1024x128xi1>, vector<1024x128xf32>
    %get3A_317 = arith.constant 0 : index
    %get3A_318 = arith.constant 4224 : index
    %get3A_319 = vector.load %arg6[%get3A_317, %get3A_318] : memref<1024x8192xf32, #tpu.memory_space<vmem>>, vector<1024x128xf32>
    %lt3A_320 = arith.cmpf olt, %get3A_319, %select_n3A_313 : vector<1024x128xf32>
    %select_n3A_321 = arith.select %lt3A_320, %get3A_319, %select_n3A_313 : vector<1024x128xi1>, vector<1024x128xf32>
    %jit3A_322 = arith.constant 3.300000e+01 : f32
    %broadcast_in_dim3A_323 = vector.broadcast %jit3A_322 : f32 to vector<1024x128xf32>
    %select_n3A_324 = arith.select %lt3A_320, %broadcast_in_dim3A_323, %select_n3A_316 : vector<1024x128xi1>, vector<1024x128xf32>
    %get3A_325 = arith.constant 0 : index
    %get3A_326 = arith.constant 4352 : index
    %get3A_327 = vector.load %arg6[%get3A_325, %get3A_326] : memref<1024x8192xf32, #tpu.memory_space<vmem>>, vector<1024x128xf32>
    %lt3A_328 = arith.cmpf olt, %get3A_327, %select_n3A_321 : vector<1024x128xf32>
    %select_n3A_329 = arith.select %lt3A_328, %get3A_327, %select_n3A_321 : vector<1024x128xi1>, vector<1024x128xf32>
    %jit3A_330 = arith.constant 3.400000e+01 : f32
    %broadcast_in_dim3A_331 = vector.broadcast %jit3A_330 : f32 to vector<1024x128xf32>
    %select_n3A_332 = arith.select %lt3A_328, %broadcast_in_dim3A_331, %select_n3A_324 : vector<1024x128xi1>, vector<1024x128xf32>
    %get3A_333 = arith.constant 0 : index
    %get3A_334 = arith.constant 4480 : index
    %get3A_335 = vector.load %arg6[%get3A_333, %get3A_334] : memref<1024x8192xf32, #tpu.memory_space<vmem>>, vector<1024x128xf32>
    %lt3A_336 = arith.cmpf olt, %get3A_335, %select_n3A_329 : vector<1024x128xf32>
    %select_n3A_337 = arith.select %lt3A_336, %get3A_335, %select_n3A_329 : vector<1024x128xi1>, vector<1024x128xf32>
    %jit3A_338 = arith.constant 3.500000e+01 : f32
    %broadcast_in_dim3A_339 = vector.broadcast %jit3A_338 : f32 to vector<1024x128xf32>
    %select_n3A_340 = arith.select %lt3A_336, %broadcast_in_dim3A_339, %select_n3A_332 : vector<1024x128xi1>, vector<1024x128xf32>
    %get3A_341 = arith.constant 0 : index
    %get3A_342 = arith.constant 4608 : index
    %get3A_343 = vector.load %arg6[%get3A_341, %get3A_342] : memref<1024x8192xf32, #tpu.memory_space<vmem>>, vector<1024x128xf32>
    %lt3A_344 = arith.cmpf olt, %get3A_343, %select_n3A_337 : vector<1024x128xf32>
    %select_n3A_345 = arith.select %lt3A_344, %get3A_343, %select_n3A_337 : vector<1024x128xi1>, vector<1024x128xf32>
    %jit3A_346 = arith.constant 3.600000e+01 : f32
    %broadcast_in_dim3A_347 = vector.broadcast %jit3A_346 : f32 to vector<1024x128xf32>
    %select_n3A_348 = arith.select %lt3A_344, %broadcast_in_dim3A_347, %select_n3A_340 : vector<1024x128xi1>, vector<1024x128xf32>
    %get3A_349 = arith.constant 0 : index
    %get3A_350 = arith.constant 4736 : index
    %get3A_351 = vector.load %arg6[%get3A_349, %get3A_350] : memref<1024x8192xf32, #tpu.memory_space<vmem>>, vector<1024x128xf32>
    %lt3A_352 = arith.cmpf olt, %get3A_351, %select_n3A_345 : vector<1024x128xf32>
    %select_n3A_353 = arith.select %lt3A_352, %get3A_351, %select_n3A_345 : vector<1024x128xi1>, vector<1024x128xf32>
    %jit3A_354 = arith.constant 3.700000e+01 : f32
    %broadcast_in_dim3A_355 = vector.broadcast %jit3A_354 : f32 to vector<1024x128xf32>
    %select_n3A_356 = arith.select %lt3A_352, %broadcast_in_dim3A_355, %select_n3A_348 : vector<1024x128xi1>, vector<1024x128xf32>
    %get3A_357 = arith.constant 0 : index
    %get3A_358 = arith.constant 4864 : index
    %get3A_359 = vector.load %arg6[%get3A_357, %get3A_358] : memref<1024x8192xf32, #tpu.memory_space<vmem>>, vector<1024x128xf32>
    %lt3A_360 = arith.cmpf olt, %get3A_359, %select_n3A_353 : vector<1024x128xf32>
    %select_n3A_361 = arith.select %lt3A_360, %get3A_359, %select_n3A_353 : vector<1024x128xi1>, vector<1024x128xf32>
    %jit3A_362 = arith.constant 3.800000e+01 : f32
    %broadcast_in_dim3A_363 = vector.broadcast %jit3A_362 : f32 to vector<1024x128xf32>
    %select_n3A_364 = arith.select %lt3A_360, %broadcast_in_dim3A_363, %select_n3A_356 : vector<1024x128xi1>, vector<1024x128xf32>
    %get3A_365 = arith.constant 0 : index
    %get3A_366 = arith.constant 4992 : index
    %get3A_367 = vector.load %arg6[%get3A_365, %get3A_366] : memref<1024x8192xf32, #tpu.memory_space<vmem>>, vector<1024x128xf32>
    %lt3A_368 = arith.cmpf olt, %get3A_367, %select_n3A_361 : vector<1024x128xf32>
    %select_n3A_369 = arith.select %lt3A_368, %get3A_367, %select_n3A_361 : vector<1024x128xi1>, vector<1024x128xf32>
    %jit3A_370 = arith.constant 3.900000e+01 : f32
    %broadcast_in_dim3A_371 = vector.broadcast %jit3A_370 : f32 to vector<1024x128xf32>
    %select_n3A_372 = arith.select %lt3A_368, %broadcast_in_dim3A_371, %select_n3A_364 : vector<1024x128xi1>, vector<1024x128xf32>
    %get3A_373 = arith.constant 0 : index
    %get3A_374 = arith.constant 5120 : index
    %get3A_375 = vector.load %arg6[%get3A_373, %get3A_374] : memref<1024x8192xf32, #tpu.memory_space<vmem>>, vector<1024x128xf32>
    %lt3A_376 = arith.cmpf olt, %get3A_375, %select_n3A_369 : vector<1024x128xf32>
    %select_n3A_377 = arith.select %lt3A_376, %get3A_375, %select_n3A_369 : vector<1024x128xi1>, vector<1024x128xf32>
    %jit3A_378 = arith.constant 4.000000e+01 : f32
    %broadcast_in_dim3A_379 = vector.broadcast %jit3A_378 : f32 to vector<1024x128xf32>
    %select_n3A_380 = arith.select %lt3A_376, %broadcast_in_dim3A_379, %select_n3A_372 : vector<1024x128xi1>, vector<1024x128xf32>
    %get3A_381 = arith.constant 0 : index
    %get3A_382 = arith.constant 5248 : index
    %get3A_383 = vector.load %arg6[%get3A_381, %get3A_382] : memref<1024x8192xf32, #tpu.memory_space<vmem>>, vector<1024x128xf32>
    %lt3A_384 = arith.cmpf olt, %get3A_383, %select_n3A_377 : vector<1024x128xf32>
    %select_n3A_385 = arith.select %lt3A_384, %get3A_383, %select_n3A_377 : vector<1024x128xi1>, vector<1024x128xf32>
    %jit3A_386 = arith.constant 4.100000e+01 : f32
    %broadcast_in_dim3A_387 = vector.broadcast %jit3A_386 : f32 to vector<1024x128xf32>
    %select_n3A_388 = arith.select %lt3A_384, %broadcast_in_dim3A_387, %select_n3A_380 : vector<1024x128xi1>, vector<1024x128xf32>
    %get3A_389 = arith.constant 0 : index
    %get3A_390 = arith.constant 5376 : index
    %get3A_391 = vector.load %arg6[%get3A_389, %get3A_390] : memref<1024x8192xf32, #tpu.memory_space<vmem>>, vector<1024x128xf32>
    %jit3A_392 = arith.constant 0x7F800000 : f32
    %broadcast_in_dim3A_393 = vector.broadcast %jit3A_392 : f32 to vector<1024x128xf32>
    %select_n3A_394 = arith.select %lt3A_213, %get3A_391, %broadcast_in_dim3A_393 : vector<1024x128xi1>, vector<1024x128xf32>
    %lt3A_395 = arith.cmpf olt, %select_n3A_394, %select_n3A_385 : vector<1024x128xf32>
    %select_n3A_396 = arith.select %lt3A_395, %select_n3A_394, %select_n3A_385 : vector<1024x128xi1>, vector<1024x128xf32>
    %jit3A_397 = arith.constant 4.200000e+01 : f32
    %broadcast_in_dim3A_398 = vector.broadcast %jit3A_397 : f32 to vector<1024x128xf32>
    %select_n3A_399 = arith.select %lt3A_395, %broadcast_in_dim3A_398, %select_n3A_388 : vector<1024x128xi1>, vector<1024x128xf32>
    %reduce_min3A_400 = arith.constant dense<0x7F800000> : vector<1024xf32>
    %reduce_min3A_401 = vector.multi_reduction <minimumf>, %select_n3A_396, %reduce_min3A_400 [1] : vector<1024x128xf32> to vector<1024xf32>
    %mul3A_402 = arith.constant 1.280000e+02 : f32
    %mul3A_403 = vector.broadcast %mul3A_402 : f32 to vector<1024x128xf32>
    %mul3A_404 = arith.mulf %select_n3A_399, %mul3A_403 : vector<1024x128xf32>
    %add3A_405 = arith.addf %mul3A_404, %convert_element_type3A : vector<1024x128xf32>
    %broadcast_in_dim3A_406 = vector.shape_cast %reduce_min3A_401 : vector<1024xf32> to vector<1024x1xf32>
    %eq3A_407 = vector.broadcast %broadcast_in_dim3A_406 : vector<1024x1xf32> to vector<1024x128xf32>
    %eq3A_408 = arith.cmpf oeq, %select_n3A_396, %eq3A_407 : vector<1024x128xf32>
    %jit3A_409 = arith.constant 8.192000e+03 : f32
    %broadcast_in_dim3A_410 = vector.broadcast %jit3A_409 : f32 to vector<1024x128xf32>
    %select_n3A_411 = arith.select %eq3A_408, %add3A_405, %broadcast_in_dim3A_410 : vector<1024x128xi1>, vector<1024x128xf32>
    %reduce_min3A_412 = arith.constant dense<0x7F800000> : vector<1024xf32>
    %reduce_min3A_413 = vector.multi_reduction <minimumf>, %select_n3A_411, %reduce_min3A_412 [1] : vector<1024x128xf32> to vector<1024xf32>
    %ge3A_414 = arith.constant 96 : i32
    %ge3A_415 = vector.broadcast %ge3A_414 : i32 to vector<1024x128xi32>
    %ge3A_416 = arith.cmpi sge, %iota3A, %ge3A_415 : vector<1024x128xi32>
    %broadcast_in_dim3A_417 = arith.constant 0x7F800000 : f32
    %broadcast_in_dim3A_418 = vector.broadcast %broadcast_in_dim3A_417 : f32 to vector<1024x128xf32>
    %broadcast_in_dim3A_419 = arith.constant 0.000000e+00 : f32
    %broadcast_in_dim3A_420 = vector.broadcast %broadcast_in_dim3A_419 : f32 to vector<1024x128xf32>
    %get3A_421 = arith.constant 0 : index
    %get3A_422 = arith.constant 5376 : index
    %get3A_423 = vector.load %arg6[%get3A_421, %get3A_422] : memref<1024x8192xf32, #tpu.memory_space<vmem>>, vector<1024x128xf32>
    %jit3A_424 = arith.constant 0x7F800000 : f32
    %broadcast_in_dim3A_425 = vector.broadcast %jit3A_424 : f32 to vector<1024x128xf32>
    %select_n3A_426 = arith.select %ge3A_416, %get3A_423, %broadcast_in_dim3A_425 : vector<1024x128xi1>, vector<1024x128xf32>
    %lt3A_427 = arith.cmpf olt, %select_n3A_426, %broadcast_in_dim3A_418 : vector<1024x128xf32>
    %select_n3A_428 = arith.select %lt3A_427, %select_n3A_426, %broadcast_in_dim3A_418 : vector<1024x128xi1>, vector<1024x128xf32>
    %jit3A_429 = arith.constant 4.200000e+01 : f32
    %broadcast_in_dim3A_430 = vector.broadcast %jit3A_429 : f32 to vector<1024x128xf32>
    %select_n3A_431 = arith.select %lt3A_427, %broadcast_in_dim3A_430, %broadcast_in_dim3A_420 : vector<1024x128xi1>, vector<1024x128xf32>
    %get3A_432 = arith.constant 0 : index
    %get3A_433 = arith.constant 5504 : index
    %get3A_434 = vector.load %arg6[%get3A_432, %get3A_433] : memref<1024x8192xf32, #tpu.memory_space<vmem>>, vector<1024x128xf32>
    %lt3A_435 = arith.cmpf olt, %get3A_434, %select_n3A_428 : vector<1024x128xf32>
    %select_n3A_436 = arith.select %lt3A_435, %get3A_434, %select_n3A_428 : vector<1024x128xi1>, vector<1024x128xf32>
    %jit3A_437 = arith.constant 4.300000e+01 : f32
    %broadcast_in_dim3A_438 = vector.broadcast %jit3A_437 : f32 to vector<1024x128xf32>
    %select_n3A_439 = arith.select %lt3A_435, %broadcast_in_dim3A_438, %select_n3A_431 : vector<1024x128xi1>, vector<1024x128xf32>
    %get3A_440 = arith.constant 0 : index
    %get3A_441 = arith.constant 5632 : index
    %get3A_442 = vector.load %arg6[%get3A_440, %get3A_441] : memref<1024x8192xf32, #tpu.memory_space<vmem>>, vector<1024x128xf32>
    %lt3A_443 = arith.cmpf olt, %get3A_442, %select_n3A_436 : vector<1024x128xf32>
    %select_n3A_444 = arith.select %lt3A_443, %get3A_442, %select_n3A_436 : vector<1024x128xi1>, vector<1024x128xf32>
    %jit3A_445 = arith.constant 4.400000e+01 : f32
    %broadcast_in_dim3A_446 = vector.broadcast %jit3A_445 : f32 to vector<1024x128xf32>
    %select_n3A_447 = arith.select %lt3A_443, %broadcast_in_dim3A_446, %select_n3A_439 : vector<1024x128xi1>, vector<1024x128xf32>
    %get3A_448 = arith.constant 0 : index
    %get3A_449 = arith.constant 5760 : index
    %get3A_450 = vector.load %arg6[%get3A_448, %get3A_449] : memref<1024x8192xf32, #tpu.memory_space<vmem>>, vector<1024x128xf32>
    %lt3A_451 = arith.cmpf olt, %get3A_450, %select_n3A_444 : vector<1024x128xf32>
    %select_n3A_452 = arith.select %lt3A_451, %get3A_450, %select_n3A_444 : vector<1024x128xi1>, vector<1024x128xf32>
    %jit3A_453 = arith.constant 4.500000e+01 : f32
    %broadcast_in_dim3A_454 = vector.broadcast %jit3A_453 : f32 to vector<1024x128xf32>
    %select_n3A_455 = arith.select %lt3A_451, %broadcast_in_dim3A_454, %select_n3A_447 : vector<1024x128xi1>, vector<1024x128xf32>
    %get3A_456 = arith.constant 0 : index
    %get3A_457 = arith.constant 5888 : index
    %get3A_458 = vector.load %arg6[%get3A_456, %get3A_457] : memref<1024x8192xf32, #tpu.memory_space<vmem>>, vector<1024x128xf32>
    %lt3A_459 = arith.cmpf olt, %get3A_458, %select_n3A_452 : vector<1024x128xf32>
    %select_n3A_460 = arith.select %lt3A_459, %get3A_458, %select_n3A_452 : vector<1024x128xi1>, vector<1024x128xf32>
    %jit3A_461 = arith.constant 4.600000e+01 : f32
    %broadcast_in_dim3A_462 = vector.broadcast %jit3A_461 : f32 to vector<1024x128xf32>
    %select_n3A_463 = arith.select %lt3A_459, %broadcast_in_dim3A_462, %select_n3A_455 : vector<1024x128xi1>, vector<1024x128xf32>
    %get3A_464 = arith.constant 0 : index
    %get3A_465 = arith.constant 6016 : index
    %get3A_466 = vector.load %arg6[%get3A_464, %get3A_465] : memref<1024x8192xf32, #tpu.memory_space<vmem>>, vector<1024x128xf32>
    %lt3A_467 = arith.cmpf olt, %get3A_466, %select_n3A_460 : vector<1024x128xf32>
    %select_n3A_468 = arith.select %lt3A_467, %get3A_466, %select_n3A_460 : vector<1024x128xi1>, vector<1024x128xf32>
    %jit3A_469 = arith.constant 4.700000e+01 : f32
    %broadcast_in_dim3A_470 = vector.broadcast %jit3A_469 : f32 to vector<1024x128xf32>
    %select_n3A_471 = arith.select %lt3A_467, %broadcast_in_dim3A_470, %select_n3A_463 : vector<1024x128xi1>, vector<1024x128xf32>
    %get3A_472 = arith.constant 0 : index
    %get3A_473 = arith.constant 6144 : index
    %get3A_474 = vector.load %arg6[%get3A_472, %get3A_473] : memref<1024x8192xf32, #tpu.memory_space<vmem>>, vector<1024x128xf32>
    %lt3A_475 = arith.cmpf olt, %get3A_474, %select_n3A_468 : vector<1024x128xf32>
    %select_n3A_476 = arith.select %lt3A_475, %get3A_474, %select_n3A_468 : vector<1024x128xi1>, vector<1024x128xf32>
    %jit3A_477 = arith.constant 4.800000e+01 : f32
    %broadcast_in_dim3A_478 = vector.broadcast %jit3A_477 : f32 to vector<1024x128xf32>
    %select_n3A_479 = arith.select %lt3A_475, %broadcast_in_dim3A_478, %select_n3A_471 : vector<1024x128xi1>, vector<1024x128xf32>
    %get3A_480 = arith.constant 0 : index
    %get3A_481 = arith.constant 6272 : index
    %get3A_482 = vector.load %arg6[%get3A_480, %get3A_481] : memref<1024x8192xf32, #tpu.memory_space<vmem>>, vector<1024x128xf32>
    %lt3A_483 = arith.cmpf olt, %get3A_482, %select_n3A_476 : vector<1024x128xf32>
    %select_n3A_484 = arith.select %lt3A_483, %get3A_482, %select_n3A_476 : vector<1024x128xi1>, vector<1024x128xf32>
    %jit3A_485 = arith.constant 4.900000e+01 : f32
    %broadcast_in_dim3A_486 = vector.broadcast %jit3A_485 : f32 to vector<1024x128xf32>
    %select_n3A_487 = arith.select %lt3A_483, %broadcast_in_dim3A_486, %select_n3A_479 : vector<1024x128xi1>, vector<1024x128xf32>
    %get3A_488 = arith.constant 0 : index
    %get3A_489 = arith.constant 6400 : index
    %get3A_490 = vector.load %arg6[%get3A_488, %get3A_489] : memref<1024x8192xf32, #tpu.memory_space<vmem>>, vector<1024x128xf32>
    %lt3A_491 = arith.cmpf olt, %get3A_490, %select_n3A_484 : vector<1024x128xf32>
    %select_n3A_492 = arith.select %lt3A_491, %get3A_490, %select_n3A_484 : vector<1024x128xi1>, vector<1024x128xf32>
    %jit3A_493 = arith.constant 5.000000e+01 : f32
    %broadcast_in_dim3A_494 = vector.broadcast %jit3A_493 : f32 to vector<1024x128xf32>
    %select_n3A_495 = arith.select %lt3A_491, %broadcast_in_dim3A_494, %select_n3A_487 : vector<1024x128xi1>, vector<1024x128xf32>
    %get3A_496 = arith.constant 0 : index
    %get3A_497 = arith.constant 6528 : index
    %get3A_498 = vector.load %arg6[%get3A_496, %get3A_497] : memref<1024x8192xf32, #tpu.memory_space<vmem>>, vector<1024x128xf32>
    %lt3A_499 = arith.cmpf olt, %get3A_498, %select_n3A_492 : vector<1024x128xf32>
    %select_n3A_500 = arith.select %lt3A_499, %get3A_498, %select_n3A_492 : vector<1024x128xi1>, vector<1024x128xf32>
    %jit3A_501 = arith.constant 5.100000e+01 : f32
    %broadcast_in_dim3A_502 = vector.broadcast %jit3A_501 : f32 to vector<1024x128xf32>
    %select_n3A_503 = arith.select %lt3A_499, %broadcast_in_dim3A_502, %select_n3A_495 : vector<1024x128xi1>, vector<1024x128xf32>
    %get3A_504 = arith.constant 0 : index
    %get3A_505 = arith.constant 6656 : index
    %get3A_506 = vector.load %arg6[%get3A_504, %get3A_505] : memref<1024x8192xf32, #tpu.memory_space<vmem>>, vector<1024x128xf32>
    %lt3A_507 = arith.cmpf olt, %get3A_506, %select_n3A_500 : vector<1024x128xf32>
    %select_n3A_508 = arith.select %lt3A_507, %get3A_506, %select_n3A_500 : vector<1024x128xi1>, vector<1024x128xf32>
    %jit3A_509 = arith.constant 5.200000e+01 : f32
    %broadcast_in_dim3A_510 = vector.broadcast %jit3A_509 : f32 to vector<1024x128xf32>
    %select_n3A_511 = arith.select %lt3A_507, %broadcast_in_dim3A_510, %select_n3A_503 : vector<1024x128xi1>, vector<1024x128xf32>
    %get3A_512 = arith.constant 0 : index
    %get3A_513 = arith.constant 6784 : index
    %get3A_514 = vector.load %arg6[%get3A_512, %get3A_513] : memref<1024x8192xf32, #tpu.memory_space<vmem>>, vector<1024x128xf32>
    %lt3A_515 = arith.cmpf olt, %get3A_514, %select_n3A_508 : vector<1024x128xf32>
    %select_n3A_516 = arith.select %lt3A_515, %get3A_514, %select_n3A_508 : vector<1024x128xi1>, vector<1024x128xf32>
    %jit3A_517 = arith.constant 5.300000e+01 : f32
    %broadcast_in_dim3A_518 = vector.broadcast %jit3A_517 : f32 to vector<1024x128xf32>
    %select_n3A_519 = arith.select %lt3A_515, %broadcast_in_dim3A_518, %select_n3A_511 : vector<1024x128xi1>, vector<1024x128xf32>
    %get3A_520 = arith.constant 0 : index
    %get3A_521 = arith.constant 6912 : index
    %get3A_522 = vector.load %arg6[%get3A_520, %get3A_521] : memref<1024x8192xf32, #tpu.memory_space<vmem>>, vector<1024x128xf32>
    %lt3A_523 = arith.cmpf olt, %get3A_522, %select_n3A_516 : vector<1024x128xf32>
    %select_n3A_524 = arith.select %lt3A_523, %get3A_522, %select_n3A_516 : vector<1024x128xi1>, vector<1024x128xf32>
    %jit3A_525 = arith.constant 5.400000e+01 : f32
    %broadcast_in_dim3A_526 = vector.broadcast %jit3A_525 : f32 to vector<1024x128xf32>
    %select_n3A_527 = arith.select %lt3A_523, %broadcast_in_dim3A_526, %select_n3A_519 : vector<1024x128xi1>, vector<1024x128xf32>
    %get3A_528 = arith.constant 0 : index
    %get3A_529 = arith.constant 7040 : index
    %get3A_530 = vector.load %arg6[%get3A_528, %get3A_529] : memref<1024x8192xf32, #tpu.memory_space<vmem>>, vector<1024x128xf32>
    %lt3A_531 = arith.cmpf olt, %get3A_530, %select_n3A_524 : vector<1024x128xf32>
    %select_n3A_532 = arith.select %lt3A_531, %get3A_530, %select_n3A_524 : vector<1024x128xi1>, vector<1024x128xf32>
    %jit3A_533 = arith.constant 5.500000e+01 : f32
    %broadcast_in_dim3A_534 = vector.broadcast %jit3A_533 : f32 to vector<1024x128xf32>
    %select_n3A_535 = arith.select %lt3A_531, %broadcast_in_dim3A_534, %select_n3A_527 : vector<1024x128xi1>, vector<1024x128xf32>
    %get3A_536 = arith.constant 0 : index
    %get3A_537 = arith.constant 7168 : index
    %get3A_538 = vector.load %arg6[%get3A_536, %get3A_537] : memref<1024x8192xf32, #tpu.memory_space<vmem>>, vector<1024x128xf32>
    %lt3A_539 = arith.cmpf olt, %get3A_538, %select_n3A_532 : vector<1024x128xf32>
    %select_n3A_540 = arith.select %lt3A_539, %get3A_538, %select_n3A_532 : vector<1024x128xi1>, vector<1024x128xf32>
    %jit3A_541 = arith.constant 5.600000e+01 : f32
    %broadcast_in_dim3A_542 = vector.broadcast %jit3A_541 : f32 to vector<1024x128xf32>
    %select_n3A_543 = arith.select %lt3A_539, %broadcast_in_dim3A_542, %select_n3A_535 : vector<1024x128xi1>, vector<1024x128xf32>
    %get3A_544 = arith.constant 0 : index
    %get3A_545 = arith.constant 7296 : index
    %get3A_546 = vector.load %arg6[%get3A_544, %get3A_545] : memref<1024x8192xf32, #tpu.memory_space<vmem>>, vector<1024x128xf32>
    %lt3A_547 = arith.cmpf olt, %get3A_546, %select_n3A_540 : vector<1024x128xf32>
    %select_n3A_548 = arith.select %lt3A_547, %get3A_546, %select_n3A_540 : vector<1024x128xi1>, vector<1024x128xf32>
    %jit3A_549 = arith.constant 5.700000e+01 : f32
    %broadcast_in_dim3A_550 = vector.broadcast %jit3A_549 : f32 to vector<1024x128xf32>
    %select_n3A_551 = arith.select %lt3A_547, %broadcast_in_dim3A_550, %select_n3A_543 : vector<1024x128xi1>, vector<1024x128xf32>
    %get3A_552 = arith.constant 0 : index
    %get3A_553 = arith.constant 7424 : index
    %get3A_554 = vector.load %arg6[%get3A_552, %get3A_553] : memref<1024x8192xf32, #tpu.memory_space<vmem>>, vector<1024x128xf32>
    %lt3A_555 = arith.cmpf olt, %get3A_554, %select_n3A_548 : vector<1024x128xf32>
    %select_n3A_556 = arith.select %lt3A_555, %get3A_554, %select_n3A_548 : vector<1024x128xi1>, vector<1024x128xf32>
    %jit3A_557 = arith.constant 5.800000e+01 : f32
    %broadcast_in_dim3A_558 = vector.broadcast %jit3A_557 : f32 to vector<1024x128xf32>
    %select_n3A_559 = arith.select %lt3A_555, %broadcast_in_dim3A_558, %select_n3A_551 : vector<1024x128xi1>, vector<1024x128xf32>
    %get3A_560 = arith.constant 0 : index
    %get3A_561 = arith.constant 7552 : index
    %get3A_562 = vector.load %arg6[%get3A_560, %get3A_561] : memref<1024x8192xf32, #tpu.memory_space<vmem>>, vector<1024x128xf32>
    %lt3A_563 = arith.cmpf olt, %get3A_562, %select_n3A_556 : vector<1024x128xf32>
    %select_n3A_564 = arith.select %lt3A_563, %get3A_562, %select_n3A_556 : vector<1024x128xi1>, vector<1024x128xf32>
    %jit3A_565 = arith.constant 5.900000e+01 : f32
    %broadcast_in_dim3A_566 = vector.broadcast %jit3A_565 : f32 to vector<1024x128xf32>
    %select_n3A_567 = arith.select %lt3A_563, %broadcast_in_dim3A_566, %select_n3A_559 : vector<1024x128xi1>, vector<1024x128xf32>
    %get3A_568 = arith.constant 0 : index
    %get3A_569 = arith.constant 7680 : index
    %get3A_570 = vector.load %arg6[%get3A_568, %get3A_569] : memref<1024x8192xf32, #tpu.memory_space<vmem>>, vector<1024x128xf32>
    %lt3A_571 = arith.cmpf olt, %get3A_570, %select_n3A_564 : vector<1024x128xf32>
    %select_n3A_572 = arith.select %lt3A_571, %get3A_570, %select_n3A_564 : vector<1024x128xi1>, vector<1024x128xf32>
    %jit3A_573 = arith.constant 6.000000e+01 : f32
    %broadcast_in_dim3A_574 = vector.broadcast %jit3A_573 : f32 to vector<1024x128xf32>
    %select_n3A_575 = arith.select %lt3A_571, %broadcast_in_dim3A_574, %select_n3A_567 : vector<1024x128xi1>, vector<1024x128xf32>
    %get3A_576 = arith.constant 0 : index
    %get3A_577 = arith.constant 7808 : index
    %get3A_578 = vector.load %arg6[%get3A_576, %get3A_577] : memref<1024x8192xf32, #tpu.memory_space<vmem>>, vector<1024x128xf32>
    %lt3A_579 = arith.cmpf olt, %get3A_578, %select_n3A_572 : vector<1024x128xf32>
    %select_n3A_580 = arith.select %lt3A_579, %get3A_578, %select_n3A_572 : vector<1024x128xi1>, vector<1024x128xf32>
    %jit3A_581 = arith.constant 6.100000e+01 : f32
    %broadcast_in_dim3A_582 = vector.broadcast %jit3A_581 : f32 to vector<1024x128xf32>
    %select_n3A_583 = arith.select %lt3A_579, %broadcast_in_dim3A_582, %select_n3A_575 : vector<1024x128xi1>, vector<1024x128xf32>
    %get3A_584 = arith.constant 0 : index
    %get3A_585 = arith.constant 7936 : index
    %get3A_586 = vector.load %arg6[%get3A_584, %get3A_585] : memref<1024x8192xf32, #tpu.memory_space<vmem>>, vector<1024x128xf32>
    %lt3A_587 = arith.cmpf olt, %get3A_586, %select_n3A_580 : vector<1024x128xf32>
    %select_n3A_588 = arith.select %lt3A_587, %get3A_586, %select_n3A_580 : vector<1024x128xi1>, vector<1024x128xf32>
    %jit3A_589 = arith.constant 6.200000e+01 : f32
    %broadcast_in_dim3A_590 = vector.broadcast %jit3A_589 : f32 to vector<1024x128xf32>
    %select_n3A_591 = arith.select %lt3A_587, %broadcast_in_dim3A_590, %select_n3A_583 : vector<1024x128xi1>, vector<1024x128xf32>
    %get3A_592 = arith.constant 0 : index
    %get3A_593 = arith.constant 8064 : index
    %get3A_594 = vector.load %arg6[%get3A_592, %get3A_593] : memref<1024x8192xf32, #tpu.memory_space<vmem>>, vector<1024x128xf32>
    %lt3A_595 = arith.cmpf olt, %get3A_594, %select_n3A_588 : vector<1024x128xf32>
    %select_n3A_596 = arith.select %lt3A_595, %get3A_594, %select_n3A_588 : vector<1024x128xi1>, vector<1024x128xf32>
    %jit3A_597 = arith.constant 6.300000e+01 : f32
    %broadcast_in_dim3A_598 = vector.broadcast %jit3A_597 : f32 to vector<1024x128xf32>
    %select_n3A_599 = arith.select %lt3A_595, %broadcast_in_dim3A_598, %select_n3A_591 : vector<1024x128xi1>, vector<1024x128xf32>
    %reduce_min3A_600 = arith.constant dense<0x7F800000> : vector<1024xf32>
    %reduce_min3A_601 = vector.multi_reduction <minimumf>, %select_n3A_596, %reduce_min3A_600 [1] : vector<1024x128xf32> to vector<1024xf32>
    %mul3A_602 = arith.constant 1.280000e+02 : f32
    %mul3A_603 = vector.broadcast %mul3A_602 : f32 to vector<1024x128xf32>
    %mul3A_604 = arith.mulf %select_n3A_599, %mul3A_603 : vector<1024x128xf32>
    %add3A_605 = arith.addf %mul3A_604, %convert_element_type3A : vector<1024x128xf32>
    %broadcast_in_dim3A_606 = vector.shape_cast %reduce_min3A_601 : vector<1024xf32> to vector<1024x1xf32>
    %eq3A_607 = vector.broadcast %broadcast_in_dim3A_606 : vector<1024x1xf32> to vector<1024x128xf32>
    %eq3A_608 = arith.cmpf oeq, %select_n3A_596, %eq3A_607 : vector<1024x128xf32>
    %jit3A_609 = arith.constant 8.192000e+03 : f32
    %broadcast_in_dim3A_610 = vector.broadcast %jit3A_609 : f32 to vector<1024x128xf32>
    %select_n3A_611 = arith.select %eq3A_608, %add3A_605, %broadcast_in_dim3A_610 : vector<1024x128xi1>, vector<1024x128xf32>
    %reduce_min3A_612 = arith.constant dense<0x7F800000> : vector<1024xf32>
    %reduce_min3A_613 = vector.multi_reduction <minimumf>, %select_n3A_611, %reduce_min3A_612 [1] : vector<1024x128xf32> to vector<1024xf32>
    %bitcast_convert_type3A = tpu.bitcast %reduce_min3A_198 : vector<1024xf32> -> vector<1024xi32>
    %add3A_614 = arith.constant 32767 : i32
    %add3A_615 = vector.broadcast %add3A_614 : i32 to vector<1024xi32>
    %add3A_616 = arith.addi %bitcast_convert_type3A, %add3A_615 : vector<1024xi32>
    %shift_right_logical3A = arith.constant 16 : i32
    %shift_right_logical3A_617 = vector.broadcast %shift_right_logical3A : i32 to vector<1024xi32>
    %shift_right_logical3A_618 = arith.shrui %bitcast_convert_type3A, %shift_right_logical3A_617 : vector<1024xi32>
    %and3A = arith.constant 1 : i32
    %and3A_619 = vector.broadcast %and3A : i32 to vector<1024xi32>
    %and3A_620 = arith.andi %shift_right_logical3A_618, %and3A_619 : vector<1024xi32>
    %add3A_621 = arith.addi %add3A_616, %and3A_620 : vector<1024xi32>
    %and3A_622 = arith.constant -65536 : i32
    %and3A_623 = vector.broadcast %and3A_622 : i32 to vector<1024xi32>
    %and3A_624 = arith.andi %add3A_621, %and3A_623 : vector<1024xi32>
    %bitcast_convert_type3A_625 = tpu.bitcast %and3A_624 : vector<1024xi32> -> vector<1024xf32>
    %broadcast_in_dim3A_626 = arith.constant 0 : i32
    %broadcast_in_dim3A_627 = vector.broadcast %broadcast_in_dim3A_626 : i32 to vector<1024xi32>
    %lt3A_628 = arith.cmpf olt, %reduce_min3A_401, %bitcast_convert_type3A_625 : vector<1024xf32>
    %bitcast_convert_type3A_629 = tpu.bitcast %reduce_min3A_401 : vector<1024xf32> -> vector<1024xi32>
    %add3A_630 = arith.constant 32767 : i32
    %add3A_631 = vector.broadcast %add3A_630 : i32 to vector<1024xi32>
    %add3A_632 = arith.addi %bitcast_convert_type3A_629, %add3A_631 : vector<1024xi32>
    %shift_right_logical3A_633 = arith.constant 16 : i32
    %shift_right_logical3A_634 = vector.broadcast %shift_right_logical3A_633 : i32 to vector<1024xi32>
    %shift_right_logical3A_635 = arith.shrui %bitcast_convert_type3A_629, %shift_right_logical3A_634 : vector<1024xi32>
    %and3A_636 = arith.constant 1 : i32
    %and3A_637 = vector.broadcast %and3A_636 : i32 to vector<1024xi32>
    %and3A_638 = arith.andi %shift_right_logical3A_635, %and3A_637 : vector<1024xi32>
    %add3A_639 = arith.addi %add3A_632, %and3A_638 : vector<1024xi32>
    %and3A_640 = arith.constant -65536 : i32
    %and3A_641 = vector.broadcast %and3A_640 : i32 to vector<1024xi32>
    %and3A_642 = arith.andi %add3A_639, %and3A_641 : vector<1024xi32>
    %bitcast_convert_type3A_643 = tpu.bitcast %and3A_642 : vector<1024xi32> -> vector<1024xf32>
    %select_n3A_644 = arith.select %lt3A_628, %bitcast_convert_type3A_643, %bitcast_convert_type3A_625 : vector<1024xi1>, vector<1024xf32>
    %jit3A_645 = arith.constant 1 : i32
    %broadcast_in_dim3A_646 = vector.broadcast %jit3A_645 : i32 to vector<1024xi32>
    %select_n3A_647 = arith.select %lt3A_628, %broadcast_in_dim3A_646, %broadcast_in_dim3A_627 : vector<1024xi1>, vector<1024xi32>
    %lt3A_648 = arith.cmpf olt, %reduce_min3A_601, %select_n3A_644 : vector<1024xf32>
    %jit3A_649 = arith.constant 2 : i32
    %broadcast_in_dim3A_650 = vector.broadcast %jit3A_649 : i32 to vector<1024xi32>
    %select_n3A_651 = arith.select %lt3A_648, %broadcast_in_dim3A_650, %select_n3A_647 : vector<1024xi1>, vector<1024xi32>
    %eq3A_652 = arith.constant 1 : i32
    %eq3A_653 = vector.broadcast %eq3A_652 : i32 to vector<1024xi32>
    %eq3A_654 = arith.cmpi eq, %select_n3A_651, %eq3A_653 : vector<1024xi32>
    %select_n3A_655 = arith.select %eq3A_654, %reduce_min3A_413, %reduce_min3A_208 : vector<1024xi1>, vector<1024xf32>
    %eq3A_656 = arith.constant 2 : i32
    %eq3A_657 = vector.broadcast %eq3A_656 : i32 to vector<1024xi32>
    %eq3A_658 = arith.cmpi eq, %select_n3A_651, %eq3A_657 : vector<1024xi32>
    %select_n3A_659 = arith.select %eq3A_658, %reduce_min3A_613, %select_n3A_655 : vector<1024xi1>, vector<1024xf32>
    %convert_element_type3A_660 = arith.fptosi %select_n3A_659 : vector<1024xf32> to vector<1024xi32>
    %swap3A_661 = arith.constant 0 : index
    %swap3A_662 = arith.constant 0 : index
    %swap3A_663 = arith.constant 0 : index
    %swap3A_664 = vector.load %arg5[%swap3A_661, %swap3A_662, %swap3A_663] : memref<1x1x1024xi32, #tpu.memory_space<vmem>>, vector<1x1x1024xi32>
    %swap3A_665 = vector.shape_cast %swap3A_664 : vector<1x1x1024xi32> to vector<1024xi32>
    %swap3A_666 = vector.shape_cast %convert_element_type3A_660 : vector<1024xi32> to vector<1x1x1024xi32>
    tpu.vector_store %arg5[%swap3A_661, %swap3A_662, %swap3A_663], %swap3A_666 {strides = array<i32>} : memref<1x1x1024xi32, #tpu.memory_space<vmem>>, vector<1x1x1024xi32>,
    return
  }
  func.func @transform_0(%arg0: i32) -> (i32, i32) {
    %c0_i32 = arith.constant 0 : i32
    %c0_i32_0 = arith.constant 0 : i32
    return %arg0, %c0_i32 : i32, i32
  }
  func.func @transform_1(%arg0: i32) -> (i32, i32) {
    %c0_i32 = arith.constant 0 : i32
    %c0_i32_0 = arith.constant 0 : i32
    %c0_i32_1 = arith.constant 0 : i32
    return %c0_i32, %c0_i32_0 : i32, i32
  }
  func.func @transform_2(%arg0: i32) -> (i32, i32) {
    %c0_i32 = arith.constant 0 : i32
    %c0_i32_0 = arith.constant 0 : i32
    return %arg0, %c0_i32 : i32, i32
  }
  func.func @transform_3(%arg0: i32) -> (i32, i32) {
    %c0_i32 = arith.constant 0 : i32
    %c0_i32_0 = arith.constant 0 : i32
    %c0_i32_1 = arith.constant 0 : i32
    return %c0_i32, %c0_i32_0 : i32, i32
  }
  func.func @transform_4(%arg0: i32) -> (i32, i32, i32) {
    %c0_i32 = arith.constant 0 : i32
    %c0_i32_0 = arith.constant 0 : i32
    %c0_i32_1 = arith.constant 0 : i32
    return %arg0, %c0_i32, %c0_i32_0 : i32, i32, i32
  }
}

</mosaic_0001>

<sc_bundles>
// kernel: kernel.4.cloned.1.call-start
scs
__scs_entry_jumppad:
0x0: {  	(pc) =	sbr.rel $0x88, $3  }
0x1: {  	(tag) =	ssettag $0x0;
	lr =	simm.s32 $0x1  }
0x2: {  	[smem:$0x3F9F] =	sst lr;
	_ =	strace $0xD0000000  }
0x3: {  	_ = 	snop  }
0x4: {  	_ = 	snop  }
0x5: {  	_ = 	snop  }
0x6: {  	_ = 	snop  }
0x7: {  	_ = 	snop  }
__scs_overlays_trampoline_lowered:
0x8: {  	[smem:$0x3FAE] =	sst s0  }
0x9: {  	[smem:$0x3FAF] =	sst s1  }
0xa: {  	[smem:$0x3FB0] =	sst s2  }
0xb: {  	[smem:$0x3FB1] =	sst s3  }
0xc: {  	[smem:$0x3FB2] =	sst s4  }
0xd: {  	[smem:$0x3FB3] =	sst s5  }
0xe: {  	[smem:$0x3FB4] =	sst s6  }
0xf: {  	[smem:$0x3FB5] =	sst s7  }
0x10: {  	[smem:$0x3FB6] =	sst s8  }
0x11: {  	[smem:$0x3FB7] =	sst s9;
	s0 =	simm.s32 @!p0 $0x0  }
0x12: {  	s1 =	sld [smem:$0x3F9D];
	s0 =	simm.s32 @p0 $0x1  }
0x13: {  	[smem:$0x3FB8] =	sst s0;
	s0 =	simm.s32 @!p1 $0x0  }
0x14: {  	s2 =	sld [smem:$0x3F9C];
	s0 =	simm.s32 @p1 $0x1  }
0x15: {  	[smem:$0x3FB9] =	sst s0;
	s0 =	simm.s32 @!p2 $0x0  }
0x16: {  	s3 =	sld [smem:$0x3FDB];
	s0 =	simm.s32 @p2 $0x1  }
0x17: {  	s4 =	simm.s32 $0x1BF5;
	[smem:$0x3FBB] =	sst s0  }
0x18: {  	s0 =	sld [smem:$0x3F9E];
	_ =	swait.ge [sflag:s4], $0x0  }
0x19: {  	s7 =	sld [smem:$0x3F9F]  }
0x1a: {  	s8 =	sadd.s32 $0xFFFFE003, lr  }
0x1b: {  	s9 =	sadd.s32 $0xFFFFFEF7, lr;
	s5 =	simm.s32 $0xFFFFFFFF;
	p2 =	slt.u32 s8, $0xFFFFF086  }
0x1c: {  	p1 =	slt.u32 s9, $0xF7A;
	s5 =	simm.s32 @!p2 $0x0  }
0x1d: {  	s5 =	simm.s32 @p1 $0x1;
	p0 =	seq.s32 s7, s2  }
0x1e: {  	s7 =	smul.u32 @!p0 $0xF7A, s2;
	p2 =	seq.s32 @!p0 s5, $0x0  }
0x1f: {  	s9 =	smul.u32 $0xF7A, s1;
	s8 =	simm.s32 @!p0 $0x1BF5;
	p2 =	por !p2, p0  }
0x20: {  	[sflag:s8] =	ssyncset.s32 @!p0 $0xFFFFF086;
	s6 =	sadd.s32 @!p0 s3, s7;
	s7 =	simm.s32 @!p0 $0x108  }
0x21: {  	s3 =	sadd.s32 s3, s9;
	s6 =	sadd.s32 @!p0 $0x88, s6;
	s7 =	simm.s32 @p2 $0x1082  }
0x22: {  	[simem:s7], [sflag:s8] =	dma.local @!p0 [hbm:s6], $0xF7A  }
0x23: {  	s9 =	sor.u32 $0xD0000000, s2;
	s6 =	simm.s32 $0x108;
	_ =	swait.ge @!p0 [sflag:s8], $0x0  }
0x24: {  	s3 =	sadd.s32 $0x88, s3;
	s6 =	simm.s32 @!p1 $0x1082;
	[sflag:s4] =	ssyncset.s32 $0xFFFFF086  }
0x25: {  	[simem:s6], [sflag:s4] =	dma.local [hbm:s3], $0xF7A  }
0x26: {  	[smem:$0x3F9F] =	sst s1;
	(tag) =	ssettag s2;
	_ =	strace s9  }
0x27: {  	s1 =	sld [smem:$0x3FAF]  }
0x28: {  	s2 =	sld [smem:$0x3FB0]  }
0x29: {  	s4 =	sld [smem:$0x3FB2]  }
0x2a: {  	p0 =	seq.s32 s5, $0x0;
	s5 =	sld [smem:$0x3FB3]  }
0x2b: {  	s6 =	sld [smem:$0x3FB4]  }
0x2c: {  	s7 =	sld [smem:$0x3FB5]  }
0x2d: {  	s3 =	simm.s32 $0x108;
	s8 =	sld [smem:$0x3FB6]  }
0x2e: {  	s3 =	simm.s32 @!p0 $0x1082;
	s9 =	sld [smem:$0x3FB7]  }
0x2f: {  	lr =	sadd.s32 s0, s3;
	s0 =	sld [smem:$0x3FAE]  }
0x30: {  	s3 =	sld [smem:$0x3FB1]  }
0x31: {  	[smem:$0x3FBA] =	sst s10  }
0x32: {  	s10 =	sld [smem:$0x3FB8];
	_ =	sdelay $0x3  }
0x33: {  	p0 =	seq.s32 s10, $0x1;
	s10 =	sld [smem:$0x3FBA];
	_ =	sdelay $0x3  }
0x34: {  	[smem:$0x3FBA] =	sst s10  }
0x35: {  	s10 =	sld [smem:$0x3FB9];
	_ =	sdelay $0x3  }
0x36: {  	p1 =	seq.s32 s10, $0x1;
	s10 =	sld [smem:$0x3FBA];
	_ =	sdelay $0x3  }
0x37: {  	[smem:$0x3FBA] =	sst s10  }
0x38: {  	s10 =	sld [smem:$0x3FBB]  }
0x39: {  	_ = 	snop;
	(pc) =	sbr.ind lr, $3  }
0x3a: {  	_ = 	snop  }
0x3b: {  	_ = 	snop  }
0x3c: {  	p2 =	seq.s32 s10, $0x1;
	s10 =	sld [smem:$0x3FBA]  }
0x3d: {  	_ =	shalt  }
0x3e: {  	_ =	shalt  }
0x3f: {  	_ =	shalt  }
0x40: {  	_ =	shalt  }
0x41: {  	_ =	shalt  }
0x42: {  	_ =	shalt  }
0x43: {  	_ =	shalt  }
0x44: {  	_ =	shalt  }
0x45: {  	_ =	shalt  }
0x46: {  	_ =	shalt  }
0x47: {  	_ =	shalt  }
0x48: {  	_ =	shalt  }
0x49: {  	_ =	shalt  }
0x4a: {  	_ =	shalt  }
0x4b: {  	_ =	shalt  }
0x4c: {  	_ =	shalt  }
0x4d: {  	_ =	shalt  }
0x4e: {  	_ =	shalt  }
0x4f: {  	_ =	shalt  }
0x50: {  	_ =	shalt  }
0x51: {  	_ =	shalt  }
0x52: {  	_ =	shalt  }
0x53: {  	_ =	shalt  }
0x54: {  	_ =	shalt  }
0x55: {  	_ =	shalt  }
0x56: {  	_ =	shalt  }
0x57: {  	_ =	shalt  }
0x58: {  	_ =	shalt  }
0x59: {  	_ =	shalt  }
0x5a: {  	_ =	shalt  }
0x5b: {  	_ =	shalt  }
0x5c: {  	_ =	shalt  }
0x5d: {  	_ =	shalt  }
0x5e: {  	_ =	shalt  }
0x5f: {  	_ =	shalt  }
0x60: {  	_ =	shalt  }
0x61: {  	_ =	shalt  }
0x62: {  	_ =	shalt  }
0x63: {  	_ =	shalt  }
0x64: {  	_ =	shalt  }
0x65: {  	_ =	shalt  }
0x66: {  	_ =	shalt  }
0x67: {  	_ =	shalt  }
0x68: {  	_ =	shalt  }
0x69: {  	_ =	shalt  }
0x6a: {  	_ =	shalt  }
0x6b: {  	_ =	shalt  }
0x6c: {  	_ =	shalt  }
0x6d: {  	_ =	shalt  }
0x6e: {  	_ =	shalt  }
0x6f: {  	_ =	shalt  }
0x70: {  	_ =	shalt  }
0x71: {  	_ =	shalt  }
0x72: {  	_ =	shalt  }
0x73: {  	_ =	shalt  }
0x74: {  	_ =	shalt  }
0x75: {  	_ =	shalt  }
0x76: {  	_ =	shalt  }
0x77: {  	_ =	shalt  }
0x78: {  	_ =	shalt  }
0x79: {  	_ =	shalt  }
0x7a: {  	_ =	shalt  }
0x7b: {  	_ =	shalt  }
0x7c: {  	_ =	shalt  }
0x7d: {  	_ =	shalt  }
0x7e: {  	_ =	shalt  }
0x7f: {  	_ =	shalt  }
0x80: {  	_ =	shalt  }
0x81: {  	_ =	shalt  }
0x82: {  	_ =	shalt  }
0x83: {  	_ =	shalt  }
0x84: {  	_ =	shalt  }
0x85: {  	_ =	shalt  }
0x86: {  	_ =	shalt  }
0x87: {  	_ =	shalt  }
.Lfunc_end0:
.L_simem_size_0:
called_computation_lowered:
.L_overlay_start_0:
0x88: {  	s2 =	sld [smem:$0x3FD9]  }
0x89: {  	s3 =	sld [smem:$0x3FFE];
	_ =	sdelay $0x1  }
0x8a: {  	s1 =	srdreg.scid  }
0x8b: {  	s0 =	sand.u32 $0x1, s1  }
0x8c: {  	s14 =	sshll.u32 s0, $0xA;
	s2 =	sadd.s32 s3, s2  }
0x8d: {  	s2 =	sadd.s32 s2, s14  }
0x8e: {  	[smem:$0x3FC6] =	sst s2  }
0x8f: {  	_ = 	snop  }
0x90: {  	s2 =	sld [smem:$0x3FD0];
	_ =	sdelay $0x2  }
0x91: {  	s4 =	simm.s32 $0xA;
	s5 =	simm.s32 $0x10;
	s15 =	sld [smem:$0x3FC8]  }
0x92: {  	[smem:s5], [sflag:s4] =	dma.local [hbm:s2], $0x1  }
0x93: {  	_ =	swait.eq [sflag:s4], $0x1  }
0x94: {  	[sflag:s4] =	ssyncset.done $0x0  }
0x95: {  	[sflag:s4] =	ssyncadd.s32 $0xFFFFFFFF  }
0x96: {  	s16 =	sld [smem:$0x10];
	(tm) =	ssettm $0x1  }
0x97: {  	s17 =	sld [smem:$0x3FFB];
	_ =	sdelay $0x3  }
0x98: {  	_ =	strace s17  }
0x99: {  	s4 =	sld [smem:$0x3FFC];
	_ =	sdelay $0x3  }
0x9a: {  	_ =	strace s4  }
0x9b: {  	s4 =	sld [smem:$0x3FFD];
	_ =	sdelay $0x3  }
0x9c: {  	_ =	strace s4  }
0x9d: {  	_ =	strace $0x8FFFFFFF  }
0x9e: {  	s18 =	sld [smem:$0x3FDB];
	_ =	sdelay $0x1  }
0x9f: {  	s19 =	simm.s32 $_scs_section_size  }
0xa0: {  	s6 =	simm.s32 $_size__tile_overlayer_lowered;
	s7 =	simm.s32 $_tile_overlayer_lowered  }
0xa1: {  	s22 =	simm.s32 $0x1BFF;
	s21 =	sshll.u32 s7, $0x1;
	s4 =	sadd.s32 s19, s18  }
0xa2: {  	s8 =	simm.s32 $0x0;
	s20 =	sshll.u32 s6, $0x1;
	s6 =	sadd.s32 s21, s4  }
0xa3: {  	[timem:s8], [sflag:s22] =	dma.local [hbm:s6], s20  }
0xa4: {  	_ =	swait.ge [sflag:s22], s20  }
0xa5: {  	s5 =	ssub.s32 $0x0, s20;
	[sflag:s22] =	ssyncset.done $0x0  }
0xa6: {  	[sflag:s22] =	ssyncadd.s32 s5;
	_ =	sdelay $0x1  }
0xa7: {  	s23 =	simm.s32 $0x1B8B  }
0xa8: {  	_ =	swait.ge [sflag:s23], $0x1  }
0xa9: {  	[sflag:s23] =	ssyncset.done $0x0  }
0xaa: {  	s25 =	simm.s32 $0x1B8E;
	s24 =	sld [smem:$0x3FFE];
	[sflag:s23] =	ssyncadd.s32 $0xFFFFFFFF  }
0xab: {  	s26 =	simm.s32 $execute0_lowered;
	[smem:$0x3FD2] =	sst s25  }
0xac: {  	s6 =	sshll.u32 s26, $0x1;
	_ =	strace $0x80000046;
	[dreg:$0x1] =	wrdreg $0xFFFFFFFF  }
0xad: {  	s28 =	simm.s32 $_size_execute0_lowered;
	s4 =	sadd.s32 s4, s6;
	[dreg:$0x0] =	wrdreg $0x0  }
0xae: {  	s6 =	sshll.u32 s28, $0x1;
	[dreg:$0x2] =	wrdreg s4  }
0xaf: {  	[dreg:$0x3] =	wrdreg s6  }
0xb0: {  	[dreg:$0x4] =	wrdreg $0xC0  }
0xb1: {  	_ =	task [dreg:s8], $0x5FFFF  }
0xb2: {  	[dreg:$0x1] =	wrdreg $0xFFFFFFFF  }
0xb3: {  	[dreg:$0x0] =	wrdreg $0x60  }
0xb4: {  	[dreg:$0x2] =	wrdreg s15  }
0xb5: {  	[dreg:$0x3] =	wrdreg s24  }
0xb6: {  	[dreg:$0x4] =	wrdreg s16  }
0xb7: {  	[dreg:$0x5] =	wrdreg $0x9  }
0xb8: {  	_ =	task.clear_ibuf [dreg:s8], $0x6FFFF;
	_ =	strace $0x90000046  }
0xb9: {  	s29 =	simm.s32 $0x9;
	_ =	strace $0x80000048  }
0xba: {  	_ =	swait.ge [sflag:s29], $0x1  }
0xbb: {  	[sflag:s29] =	ssyncadd.s32 $0xFFFFFFFF  }
0xbc: {  	_ =	strace $0x90000048  }
0xbd: {  	_ =	sfence  }
0xbe: {  	s30 =	sld [smem:$0x0];
	_ =	sdelay $0x2  }
0xbf: {  	s31 =	sshll.u32 s1, $0xD;
	s1 =	sshrl.u32 s1, $0x2  }
0xc0: {  	s3 =	sand.u32 $0x4000, s31;
	s1 =	sadd.s32 s1, s30  }
0xc1: {  	s0 =	sor.u32 s3, s0;
	s1 =	sshll.u32 s1, $0x11  }
0xc2: {  	s0 =	sor.u32 s1, s0  }
0xc3: {  	s0 =	sadd.s32 $0x8F2B, s0  }
0xc4: {  	[sflag:s0] =	ssyncadd.remote.s32 $0x1  }
0xc5: {  	_ =	sfence.sel $0xFFFF  }
0xc6: {  	[dreg:$0x0] =	wrdreg $0xFFFFFFFF;
	(pc) =	sbr.abs _section_cstart, $3  }
0xc7: {  	[dreg:$0x1] =	wrdreg $0xFFFFFFFF  }
0xc8: {  	_ =	task.clear_ibuf [dreg:s8], $0x2FFFF;
	_ =	strace $0x9FFFFFFF  }
0xc9: {  	(tm) =	ssettm $0x7FFFFFFF  }
tec
execute0_lowered:
.L_overlay_start_1:
0x0: {  	(tag) =	ssettag $0x1  }
0x1: {  	s1 =	rddreg [dreg:$0x0]  }
0x2: {  	s0 =	srdreg.scid;
	s2 =	rddreg [dreg:$0x1]  }
0x3: {  	s3 =	stileid.u32;
	s5 =	rddreg [dreg:$0x2];
	s7 =	simm.s32 $0x2  }
0x4: {  	s17 =	simm.s32 $0x1200;
	s18 =	simm.s32 $0x1A00;
	s19 =	simm.s32 $0x2200  }
0x5: {  	s20 =	simm.s32 $0x2A00;
	s21 =	simm.s32 $0x3200;
	s22 =	simm.s32 $0x3A00  }
0x6: {  	s28 =	simm.s32 $0x5200;
	s29 =	simm.s32 $0x5A00;
	s30 =	simm.s32 $0x6200  }
0x7: {  	s31 =	simm.s32 $0x6A00;
	s8 =	simm.s32 $0x8A00;
	s9 =	simm.s32 $0x9200  }
0x8: {  	s10 =	simm.s32 $0x9A00;
	s11 =	simm.s32 $0xA200;
	s13 =	simm.s32 $0xB200  }
0x9: {  	s14 =	simm.s32 $0xBA00;
	s15 =	simm.s32 $0x200;
	s0 =	sand.u32 $0x1, s0  }
0xa: {  	s3 =	sshll.u32 s3, $0xA;
	s4 =	sshll.u32 s0, $0x9;
	s0 =	ssub.s32 $0x2, s0  }
0xb: {  	s4 =	sor.u32 s4, s3;
	s3 =	simm.s32 $0x0;
	s25 =	sshrl.u32 s0, $0x1  }
0xc: {  	s6 =	sshrl.u32 s4, $0x3;
	[smem:$0x7FF] =	sst s3;
	s4 =	sshll.u32 s4, $0x5  }
0xd: {  	s0 =	ssub.s32 s0, s25;
	s2 =	sadd.s32 s6, s2;
	s4 =	sadd.s32 s5, s4  }
0xe: {  	_ =	strace $0x80000047;
	s2 =	sadd.s32 $0x200, s2;
	[dreg:$0x8] =	wrdreg s4  }
0xf: {  	s25 =	simm.s32 $0x4200;
	s23 =	sadd.s32 $0x1000, s4;
	[dreg:$0x4] =	wrdreg s2  }
0x10: {  	s5 =	smax.u32 s0, $0x1;
	s24 =	sadd.s32 $0x2000, s4;
	[dreg:$0x5] =	wrdreg s23  }
0x11: {  	v2 =	vlaneseq.u32;
	s6 =	simm.s32 $0x3;
	s26 =	sadd.s32 $0x3000, s4;
	[dreg:$0x6] =	wrdreg s24  }
0x12: {  	vm0 =	vmmov $0xffff;
	v1 =	vshrl.u32 v2, $0x3;
	s4 =	simm.s32 $0x7A00;
	[dreg:$0x7] =	wrdreg s26;
	s26 =	simm.s32 $0x4A00  }
0x13: {  	v0 =	vand.u32 $0x7, v2;
	v2 =	vor.u32 $0x8, v2;
	v1 =	vmul.u32 $0x8, v1;
	s2 =	simm.s32 $0x7200;
	s23 =	simm.s32 $0x8200;
	s24 =	simm.s32 $0xCA00  }
.LBB2_1:
0x14: {  	s16 =	rddreg [dreg:$0x4]  }
0x15: {  	[tilespmem:s3], [sflag:$0x3] =	stream.linear.gather [hbm4b:s16+s3], $0x200, $0x38;
	[tilespmem:$0x10200] =	vst v63  }
0x16: {  	_ =	swait.ge [sflag:s6], $0x200  }
0x17: {  	[sflag:s6] =	ssyncset.done $0x0  }
0x18: {  	[sflag:s6] =	ssyncadd.s32 $0xFFFFFE00  }
0x19: {  	v3 =	vld [tilespmem:$0x0];
	_ =	sdelay $0x4  }
0x1a: {  	v4 =	vshll.u32 v3, $0x1  }
0x1b: {  	v3 =	vand.u32 $0x7, v3;
	v4 =	vand.u32 $0xFFFFFFF0, v4  }
0x1c: {  	v3 =	vor.u32 v3, v4  }
0x1d: {  	v4 =	vperm.xlane v3, v0;
	_ =	sdelay $0x1  }
0x1e: {  	v3 =	vperm.xlane v3, v2;
	v4 =	vadd.s32 v1, v4;
	_ =	sdelay $0x1  }
0x1f: {  	v3 =	vadd.s32 v1, v3;
	_ =	sdelay $0x1  }
0x20: {  	s0 =	simm.s32 $0x200  }
0x21: {  	[tilespmem:s0], [sflag:$0x1] =	stream.indirect_vreg.gather [hbm4b:s1+s3], $0x80, v4, vm0, $0xb8;
	[tilespmem:$0x10200] =	vst v63  }
0x22: {  	s16 =	simm.s32 $0xA00  }
0x23: {  	[tilespmem:s16], [sflag:$0x1] =	stream.indirect_vreg.gather [hbm4b:s1+s3], $0x80, v3, vm0, $0xb8;
	[tilespmem:$0x10200] =	vst v63  }
0x24: {  	v3 =	vld [tilespmem:$0x10];
	_ =	sdelay $0x4  }
0x25: {  	v33 =	vshll.u32 v3, $0x1  }
0x26: {  	v3 =	vand.u32 $0x7, v3;
	v4 =	vand.u32 $0xFFFFFFF0, v33  }
0x27: {  	v3 =	vor.u32 v3, v4  }
0x28: {  	v4 =	vperm.xlane v3, v0;
	_ =	sdelay $0x1  }
0x29: {  	v3 =	vperm.xlane v3, v2;
	v4 =	vadd.s32 v1, v4;
	_ =	sdelay $0x1  }
0x2a: {  	v3 =	vadd.s32 v1, v3;
	_ =	sdelay $0x2  }
0x2b: {  	[tilespmem:s17], [sflag:$0x1] =	stream.indirect_vreg.gather [hbm4b:s1+s3], $0x80, v4, vm0, $0xb8;
	[tilespmem:$0x10200] =	vst v63  }
0x2c: {  	_ = 	snop  }
0x2d: {  	[tilespmem:s18], [sflag:$0x1] =	stream.indirect_vreg.gather [hbm4b:s1+s3], $0x80, v3, vm0, $0xb8;
	[tilespmem:$0x10200] =	vst v63  }
0x2e: {  	v3 =	vld [tilespmem:$0x20];
	_ =	sdelay $0x4  }
0x2f: {  	v34 =	vshll.u32 v3, $0x1  }
0x30: {  	v3 =	vand.u32 $0x7, v3;
	v4 =	vand.u32 $0xFFFFFFF0, v34  }
0x31: {  	v3 =	vor.u32 v3, v4  }
0x32: {  	v4 =	vperm.xlane v3, v0;
	_ =	sdelay $0x1  }
0x33: {  	v3 =	vperm.xlane v3, v2;
	v4 =	vadd.s32 v1, v4;
	_ =	sdelay $0x1  }
0x34: {  	v3 =	vadd.s32 v1, v3;
	_ =	sdelay $0x2  }
0x35: {  	[tilespmem:s19], [sflag:$0x1] =	stream.indirect_vreg.gather [hbm4b:s1+s3], $0x80, v4, vm0, $0xb8;
	[tilespmem:$0x10200] =	vst v63  }
0x36: {  	_ = 	snop  }
0x37: {  	[tilespmem:s20], [sflag:$0x1] =	stream.indirect_vreg.gather [hbm4b:s1+s3], $0x80, v3, vm0, $0xb8;
	[tilespmem:$0x10200] =	vst v63  }
0x38: {  	v3 =	vld [tilespmem:$0x30];
	_ =	sdelay $0x4  }
0x39: {  	v35 =	vshll.u32 v3, $0x1  }
0x3a: {  	v3 =	vand.u32 $0x7, v3;
	v4 =	vand.u32 $0xFFFFFFF0, v35  }
0x3b: {  	v3 =	vor.u32 v3, v4  }
0x3c: {  	v4 =	vperm.xlane v3, v0;
	_ =	sdelay $0x1  }
0x3d: {  	v3 =	vperm.xlane v3, v2;
	v4 =	vadd.s32 v1, v4;
	_ =	sdelay $0x1  }
0x3e: {  	v3 =	vadd.s32 v1, v3;
	_ =	sdelay $0x2  }
0x3f: {  	[tilespmem:s21], [sflag:$0x1] =	stream.indirect_vreg.gather [hbm4b:s1+s3], $0x80, v4, vm0, $0xb8;
	[tilespmem:$0x10200] =	vst v63  }
0x40: {  	_ = 	snop  }
0x41: {  	[tilespmem:s22], [sflag:$0x1] =	stream.indirect_vreg.gather [hbm4b:s1+s3], $0x80, v3, vm0, $0xb8;
	[tilespmem:$0x10200] =	vst v63  }
0x42: {  	v3 =	vld [tilespmem:$0x40];
	_ =	sdelay $0x4  }
0x43: {  	v36 =	vshll.u32 v3, $0x1  }
0x44: {  	v3 =	vand.u32 $0x7, v3;
	v4 =	vand.u32 $0xFFFFFFF0, v36  }
0x45: {  	v3 =	vor.u32 v3, v4  }
0x46: {  	v4 =	vperm.xlane v3, v0;
	_ =	sdelay $0x1  }
0x47: {  	v3 =	vperm.xlane v3, v2;
	v4 =	vadd.s32 v1, v4;
	_ =	sdelay $0x1  }
0x48: {  	v3 =	vadd.s32 v1, v3;
	_ =	sdelay $0x2  }
0x49: {  	[tilespmem:s25], [sflag:$0x1] =	stream.indirect_vreg.gather [hbm4b:s1+s3], $0x80, v4, vm0, $0xb8;
	[tilespmem:$0x10200] =	vst v63  }
0x4a: {  	_ = 	snop  }
0x4b: {  	[tilespmem:s26], [sflag:$0x1] =	stream.indirect_vreg.gather [hbm4b:s1+s3], $0x80, v3, vm0, $0xb8;
	[tilespmem:$0x10200] =	vst v63  }
0x4c: {  	v3 =	vld [tilespmem:$0x50];
	_ =	sdelay $0x4  }
0x4d: {  	v37 =	vshll.u32 v3, $0x1  }
0x4e: {  	v3 =	vand.u32 $0x7, v3;
	v4 =	vand.u32 $0xFFFFFFF0, v37  }
0x4f: {  	v3 =	vor.u32 v3, v4  }
0x50: {  	v4 =	vperm.xlane v3, v0;
	_ =	sdelay $0x1  }
0x51: {  	v3 =	vperm.xlane v3, v2;
	v4 =	vadd.s32 v1, v4;
	_ =	sdelay $0x1  }
0x52: {  	v3 =	vadd.s32 v1, v3;
	_ =	sdelay $0x2  }
0x53: {  	[tilespmem:s28], [sflag:$0x1] =	stream.indirect_vreg.gather [hbm4b:s1+s3], $0x80, v4, vm0, $0xb8;
	[tilespmem:$0x10200] =	vst v63  }
0x54: {  	_ = 	snop  }
0x55: {  	[tilespmem:s29], [sflag:$0x1] =	stream.indirect_vreg.gather [hbm4b:s1+s3], $0x80, v3, vm0, $0xb8;
	[tilespmem:$0x10200] =	vst v63  }
0x56: {  	v3 =	vld [tilespmem:$0x60];
	_ =	sdelay $0x4  }
0x57: {  	v38 =	vshll.u32 v3, $0x1  }
0x58: {  	v3 =	vand.u32 $0x7, v3;
	v4 =	vand.u32 $0xFFFFFFF0, v38  }
0x59: {  	v3 =	vor.u32 v3, v4  }
0x5a: {  	v4 =	vperm.xlane v3, v0;
	_ =	sdelay $0x1  }
0x5b: {  	v3 =	vperm.xlane v3, v2;
	v4 =	vadd.s32 v1, v4;
	_ =	sdelay $0x1  }
0x5c: {  	v3 =	vadd.s32 v1, v3;
	_ =	sdelay $0x2  }
0x5d: {  	[tilespmem:s30], [sflag:$0x1] =	stream.indirect_vreg.gather [hbm4b:s1+s3], $0x80, v4, vm0, $0xb8;
	[tilespmem:$0x10200] =	vst v63  }
0x5e: {  	_ = 	snop  }
0x5f: {  	[tilespmem:s31], [sflag:$0x1] =	stream.indirect_vreg.gather [hbm4b:s1+s3], $0x80, v3, vm0, $0xb8;
	[tilespmem:$0x10200] =	vst v63  }
0x60: {  	v3 =	vld [tilespmem:$0x70];
	_ =	sdelay $0x4  }
0x61: {  	v39 =	vshll.u32 v3, $0x1  }
0x62: {  	v3 =	vand.u32 $0x7, v3;
	v4 =	vand.u32 $0xFFFFFFF0, v39  }
0x63: {  	v3 =	vor.u32 v3, v4  }
0x64: {  	v4 =	vperm.xlane v3, v0;
	_ =	sdelay $0x1  }
0x65: {  	v3 =	vperm.xlane v3, v2;
	v4 =	vadd.s32 v1, v4;
	_ =	sdelay $0x1  }
0x66: {  	v3 =	vadd.s32 v1, v3;
	_ =	sdelay $0x2  }
0x67: {  	[tilespmem:s2], [sflag:$0x1] =	stream.indirect_vreg.gather [hbm4b:s1+s3], $0x80, v4, vm0, $0xb8;
	[tilespmem:$0x10200] =	vst v63  }
0x68: {  	s0 =	simm.s32 $0x1  }
0x69: {  	[tilespmem:s4], [sflag:$0x1] =	stream.indirect_vreg.gather [hbm4b:s1+s3], $0x80, v3, vm0, $0xb8;
	[tilespmem:$0x10200] =	vst v63  }
0x6a: {  	_ =	swait.ge [sflag:s0], $0x8000  }
0x6b: {  	[sflag:s0] =	ssyncset.done $0x0  }
0x6c: {  	[sflag:s0] =	ssyncadd.s32 $0xFFFF8000  }
0x6d: {  	v3 =	vld [tilespmem:$0x80];
	_ =	sdelay $0x4  }
0x6e: {  	v40 =	vshll.u32 v3, $0x1  }
0x6f: {  	v3 =	vand.u32 $0x7, v3;
	v4 =	vand.u32 $0xFFFFFFF0, v40  }
0x70: {  	v3 =	vor.u32 v3, v4  }
0x71: {  	v4 =	vperm.xlane v3, v0;
	_ =	sdelay $0x1  }
0x72: {  	v3 =	vperm.xlane v3, v2;
	v4 =	vadd.s32 v1, v4;
	_ =	sdelay $0x1  }
0x73: {  	v3 =	vadd.s32 v1, v3;
	_ =	sdelay $0x2  }
0x74: {  	[tilespmem:s23], [sflag:$0x2] =	stream.indirect_vreg.gather [hbm4b:s1+s3], $0x80, v4, vm0, $0xb8;
	[tilespmem:$0x10200] =	vst v63  }
0x75: {  	_ = 	snop  }
0x76: {  	[tilespmem:s8], [sflag:$0x2] =	stream.indirect_vreg.gather [hbm4b:s1+s3], $0x80, v3, vm0, $0xb8;
	[tilespmem:$0x10200] =	vst v63  }
0x77: {  	v3 =	vld [tilespmem:$0x90];
	_ =	sdelay $0x4  }
0x78: {  	v41 =	vshll.u32 v3, $0x1  }
0x79: {  	v3 =	vand.u32 $0x7, v3;
	v4 =	vand.u32 $0xFFFFFFF0, v41  }
0x7a: {  	v3 =	vor.u32 v3, v4  }
0x7b: {  	v4 =	vperm.xlane v3, v0;
	_ =	sdelay $0x1  }
0x7c: {  	v3 =	vperm.xlane v3, v2;
	v4 =	vadd.s32 v1, v4;
	_ =	sdelay $0x1  }
0x7d: {  	v3 =	vadd.s32 v1, v3;
	_ =	sdelay $0x2  }
0x7e: {  	[tilespmem:s9], [sflag:$0x2] =	stream.indirect_vreg.gather [hbm4b:s1+s3], $0x80, v4, vm0, $0xb8;
	[tilespmem:$0x10200] =	vst v63  }
0x7f: {  	_ = 	snop  }
0x80: {  	[tilespmem:s10], [sflag:$0x2] =	stream.indirect_vreg.gather [hbm4b:s1+s3], $0x80, v3, vm0, $0xb8;
	[tilespmem:$0x10200] =	vst v63  }
0x81: {  	v3 =	vld [tilespmem:$0xA0];
	_ =	sdelay $0x4  }
0x82: {  	v42 =	vshll.u32 v3, $0x1  }
0x83: {  	v3 =	vand.u32 $0x7, v3;
	v4 =	vand.u32 $0xFFFFFFF0, v42  }
0x84: {  	v3 =	vor.u32 v3, v4  }
0x85: {  	v4 =	vperm.xlane v3, v0;
	_ =	sdelay $0x1  }
0x86: {  	v3 =	vperm.xlane v3, v2;
	v4 =	vadd.s32 v1, v4;
	_ =	sdelay $0x1  }
0x87: {  	v3 =	vadd.s32 v1, v3;
	_ =	sdelay $0x2  }
0x88: {  	[tilespmem:s11], [sflag:$0x2] =	stream.indirect_vreg.gather [hbm4b:s1+s3], $0x80, v4, vm0, $0xb8;
	[tilespmem:$0x10200] =	vst v63  }
0x89: {  	s12 =	simm.s32 $0xAA00  }
0x8a: {  	[tilespmem:s12], [sflag:$0x2] =	stream.indirect_vreg.gather [hbm4b:s1+s3], $0x80, v3, vm0, $0xb8;
	[tilespmem:$0x10200] =	vst v63  }
0x8b: {  	v3 =	vld [tilespmem:$0xB0];
	_ =	sdelay $0x4  }
0x8c: {  	v43 =	vshll.u32 v3, $0x1  }
0x8d: {  	v3 =	vand.u32 $0x7, v3;
	v4 =	vand.u32 $0xFFFFFFF0, v43  }
0x8e: {  	v3 =	vor.u32 v3, v4  }
0x8f: {  	v4 =	vperm.xlane v3, v0;
	_ =	sdelay $0x1  }
0x90: {  	v3 =	vperm.xlane v3, v2;
	v4 =	vadd.s32 v1, v4;
	_ =	sdelay $0x1  }
0x91: {  	v3 =	vadd.s32 v1, v3;
	_ =	sdelay $0x2  }
0x92: {  	[tilespmem:s13], [sflag:$0x2] =	stream.indirect_vreg.gather [hbm4b:s1+s3], $0x80, v4, vm0, $0xb8;
	[tilespmem:$0x10200] =	vst v63  }
0x93: {  	_ = 	snop  }
0x94: {  	[tilespmem:s14], [sflag:$0x2] =	stream.indirect_vreg.gather [hbm4b:s1+s3], $0x80, v3, vm0, $0xb8;
	[tilespmem:$0x10200] =	vst v63  }
0x95: {  	v3 =	vld [tilespmem:$0xC0];
	_ =	sdelay $0x4  }
0x96: {  	v44 =	vshll.u32 v3, $0x1  }
0x97: {  	v3 =	vand.u32 $0x7, v3;
	v4 =	vand.u32 $0xFFFFFFF0, v44  }
0x98: {  	v3 =	vor.u32 v3, v4  }
0x99: {  	v4 =	vperm.xlane v3, v0;
	_ =	sdelay $0x1  }
0x9a: {  	v3 =	vperm.xlane v3, v2;
	v4 =	vadd.s32 v1, v4;
	_ =	sdelay $0x1  }
0x9b: {  	v3 =	vadd.s32 v1, v3;
	_ =	sdelay $0x1  }
0x9c: {  	s12 =	simm.s32 $0xC200  }
0x9d: {  	[tilespmem:s12], [sflag:$0x2] =	stream.indirect_vreg.gather [hbm4b:s1+s3], $0x80, v4, vm0, $0xb8;
	[tilespmem:$0x10200] =	vst v63  }
0x9e: {  	_ = 	snop  }
0x9f: {  	[tilespmem:s24], [sflag:$0x2] =	stream.indirect_vreg.gather [hbm4b:s1+s3], $0x80, v3, vm0, $0xb8;
	[tilespmem:$0x10200] =	vst v63  }
0xa0: {  	v3 =	vld [tilespmem:$0xD0];
	_ =	sdelay $0x4  }
0xa1: {  	v45 =	vshll.u32 v3, $0x1  }
0xa2: {  	v3 =	vand.u32 $0x7, v3;
	v4 =	vand.u32 $0xFFFFFFF0, v45  }
0xa3: {  	v3 =	vor.u32 v3, v4  }
0xa4: {  	v4 =	vperm.xlane v3, v0;
	_ =	sdelay $0x1  }
0xa5: {  	v3 =	vperm.xlane v3, v2;
	v4 =	vadd.s32 v1, v4;
	_ =	sdelay $0x1  }
0xa6: {  	v3 =	vadd.s32 v1, v3;
	_ =	sdelay $0x1  }
0xa7: {  	s12 =	simm.s32 $0xD200  }
0xa8: {  	[tilespmem:s12], [sflag:$0x2] =	stream.indirect_vreg.gather [hbm4b:s1+s3], $0x80, v4, vm0, $0xb8;
	[tilespmem:$0x10200] =	vst v63  }
0xa9: {  	s12 =	simm.s32 $0xDA00  }
0xaa: {  	[tilespmem:s12], [sflag:$0x2] =	stream.indirect_vreg.gather [hbm4b:s1+s3], $0x80, v3, vm0, $0xb8;
	[tilespmem:$0x10200] =	vst v63  }
0xab: {  	v3 =	vld [tilespmem:$0xE0];
	_ =	sdelay $0x4  }
0xac: {  	v46 =	vshll.u32 v3, $0x1  }
0xad: {  	v3 =	vand.u32 $0x7, v3;
	v4 =	vand.u32 $0xFFFFFFF0, v46  }
0xae: {  	v3 =	vor.u32 v3, v4  }
0xaf: {  	v4 =	vperm.xlane v3, v0;
	_ =	sdelay $0x1  }
0xb0: {  	v3 =	vperm.xlane v3, v2;
	v4 =	vadd.s32 v1, v4;
	_ =	sdelay $0x1  }
0xb1: {  	v3 =	vadd.s32 v1, v3;
	_ =	sdelay $0x1  }
0xb2: {  	s12 =	simm.s32 $0xE200  }
0xb3: {  	[tilespmem:s12], [sflag:$0x2] =	stream.indirect_vreg.gather [hbm4b:s1+s3], $0x80, v4, vm0, $0xb8;
	[tilespmem:$0x10200] =	vst v63  }
0xb4: {  	s12 =	simm.s32 $0xEA00  }
0xb5: {  	[tilespmem:s12], [sflag:$0x2] =	stream.indirect_vreg.gather [hbm4b:s1+s3], $0x80, v3, vm0, $0xb8;
	[tilespmem:$0x10200] =	vst v63  }
0xb6: {  	v3 =	vld [tilespmem:$0xF0];
	_ =	sdelay $0x4  }
0xb7: {  	v47 =	vshll.u32 v3, $0x1  }
0xb8: {  	v3 =	vand.u32 $0x7, v3;
	v4 =	vand.u32 $0xFFFFFFF0, v47  }
0xb9: {  	v3 =	vor.u32 v3, v4  }
0xba: {  	v4 =	vperm.xlane v3, v0;
	_ =	sdelay $0x1  }
0xbb: {  	v3 =	vperm.xlane v3, v2;
	v4 =	vadd.s32 v1, v4;
	_ =	sdelay $0x1  }
0xbc: {  	v3 =	vadd.s32 v1, v3;
	_ =	sdelay $0x1  }
0xbd: {  	s12 =	simm.s32 $0xF200  }
0xbe: {  	[tilespmem:s12], [sflag:$0x2] =	stream.indirect_vreg.gather [hbm4b:s1+s3], $0x80, v4, vm0, $0xb8;
	[tilespmem:$0x10200] =	vst v63  }
0xbf: {  	s12 =	simm.s32 $0xFA00  }
0xc0: {  	[tilespmem:s12], [sflag:$0x2] =	stream.indirect_vreg.gather [hbm4b:s1+s3], $0x80, v3, vm0, $0xb8;
	[tilespmem:$0x10200] =	vst v63  }
0xc1: {  	s12 =	rddreg [dreg:$0x8]  }
0xc2: {  	[hbm4b:s12+s3] =	stream.linear.scatter [tilespmem:s15], [sflag:$0x3], $0x8000, $0x38;
	[tilespmem:$0x10200] =	vst v63  }
0xc3: {  	_ =	swait.ge [sflag:s6], $0x8000  }
0xc4: {  	[sflag:s6] =	ssyncset.done $0x0  }
0xc5: {  	[sflag:s6] =	ssyncadd.s32 $0xFFFF8000  }
0xc6: {  	_ =	swait.ge [sflag:s7], $0x8000  }
0xc7: {  	[sflag:s7] =	ssyncset.done $0x0  }
0xc8: {  	[sflag:s7] =	ssyncadd.s32 $0xFFFF8000  }
0xc9: {  	v3 =	vld [tilespmem:$0x100];
	_ =	sdelay $0x4  }
0xca: {  	v48 =	vshll.u32 v3, $0x1  }
0xcb: {  	v3 =	vand.u32 $0x7, v3;
	v4 =	vand.u32 $0xFFFFFFF0, v48  }
0xcc: {  	v3 =	vor.u32 v3, v4  }
0xcd: {  	v4 =	vperm.xlane v3, v0;
	_ =	sdelay $0x1  }
0xce: {  	v3 =	vperm.xlane v3, v2;
	v4 =	vadd.s32 v1, v4;
	_ =	sdelay $0x1  }
0xcf: {  	v3 =	vadd.s32 v1, v3;
	_ =	sdelay $0x2  }
0xd0: {  	[tilespmem:s15], [sflag:$0x1] =	stream.indirect_vreg.gather [hbm4b:s1+s3], $0x80, v4, vm0, $0xb8;
	[tilespmem:$0x10200] =	vst v63  }
0xd1: {  	_ = 	snop  }
0xd2: {  	[tilespmem:s16], [sflag:$0x1] =	stream.indirect_vreg.gather [hbm4b:s1+s3], $0x80, v3, vm0, $0xb8;
	[tilespmem:$0x10200] =	vst v63  }
0xd3: {  	v3 =	vld [tilespmem:$0x110];
	_ =	sdelay $0x4  }
0xd4: {  	v49 =	vshll.u32 v3, $0x1  }
0xd5: {  	v3 =	vand.u32 $0x7, v3;
	v4 =	vand.u32 $0xFFFFFFF0, v49  }
0xd6: {  	v3 =	vor.u32 v3, v4  }
0xd7: {  	v4 =	vperm.xlane v3, v0;
	_ =	sdelay $0x1  }
0xd8: {  	v3 =	vperm.xlane v3, v2;
	v4 =	vadd.s32 v1, v4;
	_ =	sdelay $0x1  }
0xd9: {  	v3 =	vadd.s32 v1, v3;
	_ =	sdelay $0x2  }
0xda: {  	[tilespmem:s17], [sflag:$0x1] =	stream.indirect_vreg.gather [hbm4b:s1+s3], $0x80, v4, vm0, $0xb8;
	[tilespmem:$0x10200] =	vst v63  }
0xdb: {  	_ = 	snop  }
0xdc: {  	[tilespmem:s18], [sflag:$0x1] =	stream.indirect_vreg.gather [hbm4b:s1+s3], $0x80, v3, vm0, $0xb8;
	[tilespmem:$0x10200] =	vst v63  }
0xdd: {  	v3 =	vld [tilespmem:$0x120];
	_ =	sdelay $0x4  }
0xde: {  	v50 =	vshll.u32 v3, $0x1  }
0xdf: {  	v3 =	vand.u32 $0x7, v3;
	v4 =	vand.u32 $0xFFFFFFF0, v50  }
0xe0: {  	v3 =	vor.u32 v3, v4  }
0xe1: {  	v4 =	vperm.xlane v3, v0;
	_ =	sdelay $0x1  }
0xe2: {  	v3 =	vperm.xlane v3, v2;
	v4 =	vadd.s32 v1, v4;
	_ =	sdelay $0x1  }
0xe3: {  	v3 =	vadd.s32 v1, v3;
	_ =	sdelay $0x2  }
0xe4: {  	[tilespmem:s19], [sflag:$0x1] =	stream.indirect_vreg.gather [hbm4b:s1+s3], $0x80, v4, vm0, $0xb8;
	[tilespmem:$0x10200] =	vst v63  }
0xe5: {  	_ = 	snop  }
0xe6: {  	[tilespmem:s20], [sflag:$0x1] =	stream.indirect_vreg.gather [hbm4b:s1+s3], $0x80, v3, vm0, $0xb8;
	[tilespmem:$0x10200] =	vst v63  }
0xe7: {  	v3 =	vld [tilespmem:$0x130];
	_ =	sdelay $0x4  }
0xe8: {  	v51 =	vshll.u32 v3, $0x1  }
0xe9: {  	v3 =	vand.u32 $0x7, v3;
	v4 =	vand.u32 $0xFFFFFFF0, v51  }
0xea: {  	v3 =	vor.u32 v3, v4  }
0xeb: {  	v4 =	vperm.xlane v3, v0;
	_ =	sdelay $0x1  }
0xec: {  	v3 =	vperm.xlane v3, v2;
	v4 =	vadd.s32 v1, v4;
	_ =	sdelay $0x1  }
0xed: {  	v3 =	vadd.s32 v1, v3;
	_ =	sdelay $0x2  }
0xee: {  	[tilespmem:s21], [sflag:$0x1] =	stream.indirect_vreg.gather [hbm4b:s1+s3], $0x80, v4, vm0, $0xb8;
	[tilespmem:$0x10200] =	vst v63  }
0xef: {  	_ = 	snop  }
0xf0: {  	[tilespmem:s22], [sflag:$0x1] =	stream.indirect_vreg.gather [hbm4b:s1+s3], $0x80, v3, vm0, $0xb8;
	[tilespmem:$0x10200] =	vst v63  }
0xf1: {  	v3 =	vld [tilespmem:$0x140];
	_ =	sdelay $0x4  }
0xf2: {  	v52 =	vshll.u32 v3, $0x1  }
0xf3: {  	v3 =	vand.u32 $0x7, v3;
	v4 =	vand.u32 $0xFFFFFFF0, v52  }
0xf4: {  	v3 =	vor.u32 v3, v4  }
0xf5: {  	v4 =	vperm.xlane v3, v0;
	_ =	sdelay $0x1  }
0xf6: {  	v3 =	vperm.xlane v3, v2;
	v4 =	vadd.s32 v1, v4;
	_ =	sdelay $0x1  }
0xf7: {  	v3 =	vadd.s32 v1, v3;
	_ =	sdelay $0x2  }
0xf8: {  	[tilespmem:s25], [sflag:$0x1] =	stream.indirect_vreg.gather [hbm4b:s1+s3], $0x80, v4, vm0, $0xb8;
	[tilespmem:$0x10200] =	vst v63  }
0xf9: {  	_ = 	snop  }
0xfa: {  	[tilespmem:s26], [sflag:$0x1] =	stream.indirect_vreg.gather [hbm4b:s1+s3], $0x80, v3, vm0, $0xb8;
	[tilespmem:$0x10200] =	vst v63  }
0xfb: {  	v3 =	vld [tilespmem:$0x150];
	_ =	sdelay $0x4  }
0xfc: {  	v53 =	vshll.u32 v3, $0x1  }
0xfd: {  	v3 =	vand.u32 $0x7, v3;
	v4 =	vand.u32 $0xFFFFFFF0, v53  }
0xfe: {  	v3 =	vor.u32 v3, v4  }
0xff: {  	v4 =	vperm.xlane v3, v0;
	_ =	sdelay $0x1  }
0x100: {  	v3 =	vperm.xlane v3, v2;
	v4 =	vadd.s32 v1, v4;
	_ =	sdelay $0x1  }
0x101: {  	v3 =	vadd.s32 v1, v3;
	_ =	sdelay $0x2  }
0x102: {  	[tilespmem:s28], [sflag:$0x1] =	stream.indirect_vreg.gather [hbm4b:s1+s3], $0x80, v4, vm0, $0xb8;
	[tilespmem:$0x10200] =	vst v63  }
0x103: {  	_ = 	snop  }
0x104: {  	[tilespmem:s29], [sflag:$0x1] =	stream.indirect_vreg.gather [hbm4b:s1+s3], $0x80, v3, vm0, $0xb8;
	[tilespmem:$0x10200] =	vst v63  }
0x105: {  	v3 =	vld [tilespmem:$0x160];
	_ =	sdelay $0x4  }
0x106: {  	v54 =	vshll.u32 v3, $0x1  }
0x107: {  	v3 =	vand.u32 $0x7, v3;
	v4 =	vand.u32 $0xFFFFFFF0, v54  }
0x108: {  	v3 =	vor.u32 v3, v4  }
0x109: {  	v4 =	vperm.xlane v3, v0;
	_ =	sdelay $0x1  }
0x10a: {  	v3 =	vperm.xlane v3, v2;
	v4 =	vadd.s32 v1, v4;
	_ =	sdelay $0x1  }
0x10b: {  	v3 =	vadd.s32 v1, v3;
	_ =	sdelay $0x2  }
0x10c: {  	[tilespmem:s30], [sflag:$0x1] =	stream.indirect_vreg.gather [hbm4b:s1+s3], $0x80, v4, vm0, $0xb8;
	[tilespmem:$0x10200] =	vst v63  }
0x10d: {  	_ = 	snop  }
0x10e: {  	[tilespmem:s31], [sflag:$0x1] =	stream.indirect_vreg.gather [hbm4b:s1+s3], $0x80, v3, vm0, $0xb8;
	[tilespmem:$0x10200] =	vst v63  }
0x10f: {  	v3 =	vld [tilespmem:$0x170];
	_ =	sdelay $0x4  }
0x110: {  	v55 =	vshll.u32 v3, $0x1  }
0x111: {  	v3 =	vand.u32 $0x7, v3;
	v4 =	vand.u32 $0xFFFFFFF0, v55  }
0x112: {  	v3 =	vor.u32 v3, v4  }
0x113: {  	v4 =	vperm.xlane v3, v0;
	_ =	sdelay $0x1  }
0x114: {  	v3 =	vperm.xlane v3, v2;
	v4 =	vadd.s32 v1, v4;
	_ =	sdelay $0x1  }
0x115: {  	v3 =	vadd.s32 v1, v3;
	_ =	sdelay $0x2  }
0x116: {  	[tilespmem:s2], [sflag:$0x1] =	stream.indirect_vreg.gather [hbm4b:s1+s3], $0x80, v4, vm0, $0xb8;
	[tilespmem:$0x10200] =	vst v63  }
0x117: {  	_ = 	snop  }
0x118: {  	[tilespmem:s4], [sflag:$0x1] =	stream.indirect_vreg.gather [hbm4b:s1+s3], $0x80, v3, vm0, $0xb8;
	[tilespmem:$0x10200] =	vst v63  }
0x119: {  	s16 =	rddreg [dreg:$0x5]  }
0x11a: {  	[hbm4b:s16+s3] =	stream.linear.scatter [tilespmem:s23], [sflag:$0x3], $0x8000, $0x38;
	[tilespmem:$0x10200] =	vst v63  }
0x11b: {  	_ =	swait.ge [sflag:s6], $0x8000  }
0x11c: {  	[sflag:s6] =	ssyncset.done $0x0  }
0x11d: {  	[sflag:s6] =	ssyncadd.s32 $0xFFFF8000  }
0x11e: {  	_ =	swait.ge [sflag:s0], $0x8000  }
0x11f: {  	[sflag:s0] =	ssyncset.done $0x0  }
0x120: {  	[sflag:s0] =	ssyncadd.s32 $0xFFFF8000  }
0x121: {  	v3 =	vld [tilespmem:$0x180];
	_ =	sdelay $0x4  }
0x122: {  	v56 =	vshll.u32 v3, $0x1  }
0x123: {  	v3 =	vand.u32 $0x7, v3;
	v4 =	vand.u32 $0xFFFFFFF0, v56  }
0x124: {  	v3 =	vor.u32 v3, v4  }
0x125: {  	v4 =	vperm.xlane v3, v0;
	_ =	sdelay $0x1  }
0x126: {  	v3 =	vperm.xlane v3, v2;
	v4 =	vadd.s32 v1, v4;
	_ =	sdelay $0x1  }
0x127: {  	v3 =	vadd.s32 v1, v3;
	_ =	sdelay $0x2  }
0x128: {  	[tilespmem:s23], [sflag:$0x2] =	stream.indirect_vreg.gather [hbm4b:s1+s3], $0x80, v4, vm0, $0xb8;
	[tilespmem:$0x10200] =	vst v63  }
0x129: {  	_ = 	snop  }
0x12a: {  	[tilespmem:s8], [sflag:$0x2] =	stream.indirect_vreg.gather [hbm4b:s1+s3], $0x80, v3, vm0, $0xb8;
	[tilespmem:$0x10200] =	vst v63  }
0x12b: {  	v3 =	vld [tilespmem:$0x190];
	_ =	sdelay $0x4  }
0x12c: {  	v57 =	vshll.u32 v3, $0x1  }
0x12d: {  	v3 =	vand.u32 $0x7, v3;
	v4 =	vand.u32 $0xFFFFFFF0, v57  }
0x12e: {  	v3 =	vor.u32 v3, v4  }
0x12f: {  	v4 =	vperm.xlane v3, v0;
	_ =	sdelay $0x1  }
0x130: {  	v3 =	vperm.xlane v3, v2;
	v4 =	vadd.s32 v1, v4;
	_ =	sdelay $0x1  }
0x131: {  	v3 =	vadd.s32 v1, v3;
	_ =	sdelay $0x2  }
0x132: {  	[tilespmem:s9], [sflag:$0x2] =	stream.indirect_vreg.gather [hbm4b:s1+s3], $0x80, v4, vm0, $0xb8;
	[tilespmem:$0x10200] =	vst v63  }
0x133: {  	_ = 	snop  }
0x134: {  	[tilespmem:s10], [sflag:$0x2] =	stream.indirect_vreg.gather [hbm4b:s1+s3], $0x80, v3, vm0, $0xb8;
	[tilespmem:$0x10200] =	vst v63  }
0x135: {  	v3 =	vld [tilespmem:$0x1A0];
	_ =	sdelay $0x4  }
0x136: {  	v58 =	vshll.u32 v3, $0x1  }
0x137: {  	v3 =	vand.u32 $0x7, v3;
	v4 =	vand.u32 $0xFFFFFFF0, v58  }
0x138: {  	v3 =	vor.u32 v3, v4  }
0x139: {  	v4 =	vperm.xlane v3, v0;
	_ =	sdelay $0x1  }
0x13a: {  	v3 =	vperm.xlane v3, v2;
	v4 =	vadd.s32 v1, v4;
	_ =	sdelay $0x1  }
0x13b: {  	v3 =	vadd.s32 v1, v3;
	_ =	sdelay $0x2  }
0x13c: {  	[tilespmem:s11], [sflag:$0x2] =	stream.indirect_vreg.gather [hbm4b:s1+s3], $0x80, v4, vm0, $0xb8;
	[tilespmem:$0x10200] =	vst v63  }
0x13d: {  	s16 =	simm.s32 $0xAA00  }
0x13e: {  	[tilespmem:s16], [sflag:$0x2] =	stream.indirect_vreg.gather [hbm4b:s1+s3], $0x80, v3, vm0, $0xb8;
	[tilespmem:$0x10200] =	vst v63  }
0x13f: {  	v3 =	vld [tilespmem:$0x1B0];
	_ =	sdelay $0x4  }
0x140: {  	v59 =	vshll.u32 v3, $0x1  }
0x141: {  	v3 =	vand.u32 $0x7, v3;
	v4 =	vand.u32 $0xFFFFFFF0, v59  }
0x142: {  	v3 =	vor.u32 v3, v4  }
0x143: {  	v4 =	vperm.xlane v3, v0;
	_ =	sdelay $0x1  }
0x144: {  	v3 =	vperm.xlane v3, v2;
	v4 =	vadd.s32 v1, v4;
	_ =	sdelay $0x1  }
0x145: {  	v3 =	vadd.s32 v1, v3;
	_ =	sdelay $0x2  }
0x146: {  	[tilespmem:s13], [sflag:$0x2] =	stream.indirect_vreg.gather [hbm4b:s1+s3], $0x80, v4, vm0, $0xb8;
	[tilespmem:$0x10200] =	vst v63  }
0x147: {  	_ = 	snop  }
0x148: {  	[tilespmem:s14], [sflag:$0x2] =	stream.indirect_vreg.gather [hbm4b:s1+s3], $0x80, v3, vm0, $0xb8;
	[tilespmem:$0x10200] =	vst v63  }
0x149: {  	v3 =	vld [tilespmem:$0x1C0];
	_ =	sdelay $0x4  }
0x14a: {  	v60 =	vshll.u32 v3, $0x1  }
0x14b: {  	v3 =	vand.u32 $0x7, v3;
	v4 =	vand.u32 $0xFFFFFFF0, v60  }
0x14c: {  	v3 =	vor.u32 v3, v4  }
0x14d: {  	v4 =	vperm.xlane v3, v0;
	_ =	sdelay $0x1  }
0x14e: {  	v3 =	vperm.xlane v3, v2;
	v4 =	vadd.s32 v1, v4;
	_ =	sdelay $0x1  }
0x14f: {  	v3 =	vadd.s32 v1, v3;
	_ =	sdelay $0x1  }
0x150: {  	s16 =	simm.s32 $0xC200  }
0x151: {  	[tilespmem:s16], [sflag:$0x2] =	stream.indirect_vreg.gather [hbm4b:s1+s3], $0x80, v4, vm0, $0xb8;
	[tilespmem:$0x10200] =	vst v63  }
0x152: {  	_ = 	snop  }
0x153: {  	[tilespmem:s24], [sflag:$0x2] =	stream.indirect_vreg.gather [hbm4b:s1+s3], $0x80, v3, vm0, $0xb8;
	[tilespmem:$0x10200] =	vst v63  }
0x154: {  	v3 =	vld [tilespmem:$0x1D0];
	_ =	sdelay $0x4  }
0x155: {  	v61 =	vshll.u32 v3, $0x1  }
0x156: {  	v3 =	vand.u32 $0x7, v3;
	v4 =	vand.u32 $0xFFFFFFF0, v61  }
0x157: {  	v3 =	vor.u32 v3, v4  }
0x158: {  	v4 =	vperm.xlane v3, v0;
	_ =	sdelay $0x1  }
0x159: {  	v3 =	vperm.xlane v3, v2;
	v4 =	vadd.s32 v1, v4;
	_ =	sdelay $0x1  }
0x15a: {  	v3 =	vadd.s32 v1, v3;
	_ =	sdelay $0x1  }
0x15b: {  	s16 =	simm.s32 $0xD200  }
0x15c: {  	[tilespmem:s16], [sflag:$0x2] =	stream.indirect_vreg.gather [hbm4b:s1+s3], $0x80, v4, vm0, $0xb8;
	[tilespmem:$0x10200] =	vst v63  }
0x15d: {  	s16 =	simm.s32 $0xDA00  }
0x15e: {  	[tilespmem:s16], [sflag:$0x2] =	stream.indirect_vreg.gather [hbm4b:s1+s3], $0x80, v3, vm0, $0xb8;
	[tilespmem:$0x10200] =	vst v63  }
0x15f: {  	v3 =	vld [tilespmem:$0x1E0];
	_ =	sdelay $0x4  }
0x160: {  	v62 =	vshll.u32 v3, $0x1  }
0x161: {  	v3 =	vand.u32 $0x7, v3;
	v4 =	vand.u32 $0xFFFFFFF0, v62  }
0x162: {  	v3 =	vor.u32 v3, v4  }
0x163: {  	v4 =	vperm.xlane v3, v0;
	_ =	sdelay $0x1  }
0x164: {  	v3 =	vperm.xlane v3, v2;
	v4 =	vadd.s32 v1, v4;
	_ =	sdelay $0x1  }
0x165: {  	v3 =	vadd.s32 v1, v3;
	_ =	sdelay $0x1  }
0x166: {  	s16 =	simm.s32 $0xE200  }
0x167: {  	[tilespmem:s16], [sflag:$0x2] =	stream.indirect_vreg.gather [hbm4b:s1+s3], $0x80, v4, vm0, $0xb8;
	[tilespmem:$0x10200] =	vst v63  }
0x168: {  	s16 =	simm.s32 $0xEA00  }
0x169: {  	[tilespmem:s16], [sflag:$0x2] =	stream.indirect_vreg.gather [hbm4b:s1+s3], $0x80, v3, vm0, $0xb8;
	[tilespmem:$0x10200] =	vst v63  }
0x16a: {  	v3 =	vld [tilespmem:$0x1F0];
	_ =	sdelay $0x4  }
0x16b: {  	v63 =	vshll.u32 v3, $0x1  }
0x16c: {  	v3 =	vand.u32 $0x7, v3;
	v4 =	vand.u32 $0xFFFFFFF0, v63  }
0x16d: {  	v3 =	vor.u32 v3, v4  }
0x16e: {  	v4 =	vperm.xlane v3, v0;
	_ =	sdelay $0x1  }
0x16f: {  	v3 =	vperm.xlane v3, v2;
	v4 =	vadd.s32 v1, v4;
	_ =	sdelay $0x1  }
0x170: {  	v3 =	vadd.s32 v1, v3;
	_ =	sdelay $0x1  }
0x171: {  	s16 =	simm.s32 $0xF200  }
0x172: {  	[tilespmem:s16], [sflag:$0x2] =	stream.indirect_vreg.gather [hbm4b:s1+s3], $0x80, v4, vm0, $0xb8;
	[tilespmem:$0x10200] =	vst v63  }
0x173: {  	s0 =	simm.s32 $0xFA00  }
0x174: {  	[tilespmem:s0], [sflag:$0x2] =	stream.indirect_vreg.gather [hbm4b:s1+s3], $0x80, v3, vm0, $0xb8;
	[tilespmem:$0x10200] =	vst v63  }
0x175: {  	s12 =	simm.s32 $0x200;
	s16 =	rddreg [dreg:$0x6]  }
0x176: {  	[hbm4b:s16+s3] =	stream.linear.scatter [tilespmem:s12], [sflag:$0x3], $0x8000, $0x38;
	[tilespmem:$0x10200] =	vst v63  }
0x177: {  	_ =	swait.ge [sflag:s6], $0x8000  }
0x178: {  	[sflag:s6] =	ssyncset.done $0x0  }
0x179: {  	[sflag:s6] =	ssyncadd.s32 $0xFFFF8000  }
0x17a: {  	_ =	swait.ge [sflag:s7], $0x8000  }
0x17b: {  	p0 =	sne.s32 s5, $0x1;
	[sflag:s7] =	ssyncset.done $0x0  }
.Ltmp0:
0x17c: {  	s12 =	rddreg [dreg:$0x7];
	[sflag:s7] =	ssyncadd.s32 $0xFFFF8000;
	(pc) =	sbr.rel @p0 .LBB2_1-.Ltmp0, $4  }
0x17d: {  	[hbm4b:s12+s3] =	stream.linear.scatter [tilespmem:s23], [sflag:$0x3], $0x8000, $0x38;
	[tilespmem:$0x10200] =	vst v63  }
0x17e: {  	_ =	swait.ge [sflag:s6], $0x8000  }
0x17f: {  	[sflag:s6] =	ssyncset.done $0x0  }
0x180: {  	s5 =	sadd.s32 $0xFFFFFFFF, s5;
	[sflag:s6] =	ssyncadd.s32 $0xFFFF8000  }
0x181: {  	_ =	sfence.sel $0x180000  }
0x182: {  	[bflag:$0x0] =	sbarrier.arrive $0xFFFF  }
0x183: {  	_ =	strace $0x90000047  }
0x184: {  	s0 =	stileid.u32;
	[bflag:$0x2] =	sbarrier.arrive $0xFFFF  }
0x185: {  	p0 =	sne.s32 s0, $0x0;
	s0 =	rddreg [dreg:$0x3]  }
0x186: {  	s0 =	sadd.s32 @!p0 $0x100000, s0  }
0x187: {  	[sflag:s0] =	ssyncadd.tile.s32 @!p0 $0x1;
	_ =	shalt  }
.Lfunc_end2:
_tile_overlayer_lowered:
.L_overlay_start_2:
0x188: {  	(tag) =	ssettag $0x2  }
0x189: {  	s0 =	rddreg [dreg:$0x0];
	s2 =	stileid.u32  }
0x18a: {  	s1 =	rddreg [dreg:$0x1];
	p0 =	sne.s32 s2, $0x0  }
0x18b: {  	s3 =	rddreg [dreg:$0x2];
	[bflag:$0x3] =	sbarrier.arrive $0xFFFF;
	s2 =	simm.s32 @!p0 $0x1C03  }
0x18c: {  	[timem:s3], [sflag:s2] =	dma.local @!p0 [hbm:s0], s1  }
0x18d: {  	s0 =	simm.s32 @!p0 $0x3  }
0x18e: {  	_ =	swait.ge @!p0 [sflag:s0], s1  }
0x18f: {  	s1 =	ssub.s32 @!p0 $0x0, s1;
	[sflag:s0] =	ssyncset.done @!p0 $0x0  }
0x190: {  	[sflag:s0] =	ssyncadd.s32 @!p0 s1  }
0x191: {  	[bflag:$0x3] =	sbarrier.arrive $0xFFFF  }
0x192: {  	_ =	shalt  }

</sc_bundles>
